<compile_context>
chip_gen: v7x
topology: tpu7x:2x2x1
jax: 0.10.2.dev20260603
libtpu: 0.0.44.dev20260713+nightly
codegen_flags: <defaults>
</compile_context>

<pallas_src>
import functools

import jax
import jax.numpy as jnp
from jax import lax
from jax.experimental import pallas as pl
from jax.experimental.pallas import tpu as pltpu
from jax.experimental.pallas import tpu_sc as plsc

NZ, NG, NP = 119, 20, 8
NB = 32
HID = 3 * NB
NOUT = 64
NCOMB = NZ * NG * NP
ROWS_PER_STEP = 3808
TAB_STEPS = NCOMB // ROWS_PER_STEP

NTOK = 16384 * 50
LANES = 128
NBLK = NTOK // LANES
NWORKERS = 32
BLK_PER_W = NBLK // NWORKERS
SB = 5
NSB = BLK_PER_W // SB


def _table_body(src_ref, gp_ref, pd_ref, w1_ref, b1_ref, w2_ref, b2_ref,
                out_ref):
    step = pl.program_id(0)
    r0 = step * ROWS_PER_STEP
    rows = r0 + lax.broadcasted_iota(jnp.int32, (ROWS_PER_STEP, 1), 0)
    z = rows // (NG * NP)
    g = (rows // NP) % NG
    p = rows % NP

    w1 = w1_ref[...]
    pz = jnp.dot(src_ref[...], w1[0:NB, :], preferred_element_type=jnp.float32)
    pg = jnp.dot(gp_ref[...], w1[NB:2 * NB, :], preferred_element_type=jnp.float32)
    pp = jnp.dot(pd_ref[...], w1[2 * NB:3 * NB, :], preferred_element_type=jnp.float32)

    ohz = (lax.broadcasted_iota(jnp.int32, (ROWS_PER_STEP, 128), 1) == z
           ).astype(jnp.float32)
    ohg = (lax.broadcasted_iota(jnp.int32, (ROWS_PER_STEP, 32), 1) == g
           ).astype(jnp.float32)
    ohp = (lax.broadcasted_iota(jnp.int32, (ROWS_PER_STEP, 8), 1) == p
           ).astype(jnp.float32)

    pre = (jnp.dot(ohz, pz, preferred_element_type=jnp.float32)
           + jnp.dot(ohg, pg, preferred_element_type=jnp.float32)
           + jnp.dot(ohp, pp, preferred_element_type=jnp.float32)
           + b1_ref[...])
    h = jnp.maximum(pre, 0.0)
    out_ref[...] = jnp.dot(h, w2_ref[...], preferred_element_type=jnp.float32) \
        + b2_ref[...]


def _build_table(src_pad, gp_pad, pd_emb, W1, b1, W2, b2):
    full = lambda s: pl.BlockSpec(s, lambda i: tuple(0 for _ in s))
    return pl.pallas_call(
        _table_body,
        grid=(TAB_STEPS,),
        in_specs=[
            full(src_pad.shape), full(gp_pad.shape), full(pd_emb.shape),
            full(W1.shape), full((1, HID)), full(W2.shape), full((1, NOUT)),
        ],
        out_specs=pl.BlockSpec((ROWS_PER_STEP, NOUT), lambda i: (i, 0)),
        out_shape=jax.ShapeDtypeStruct((NCOMB, NOUT), jnp.float32),
    )(src_pad, gp_pad, pd_emb, W1, b1.reshape(1, HID), W2,
      b2.reshape(1, NOUT))


def _ci_body(mz_ref, mg_ref, mp_ref, out_ref):
    z = jnp.clip(mz_ref[...], 0, NZ - 1)
    g = jnp.clip(mg_ref[...], 0, NG - 1)
    p = jnp.clip(mp_ref[...], 0, NP - 1)
    out_ref[...] = z * (NG * NP) + g * NP + p


def _combine_indices(mz, mg, mp):
    full = lambda: pl.BlockSpec((NBLK, LANES), lambda: (0, 0))
    return pl.pallas_call(
        _ci_body,
        in_specs=[full(), full(), full()],
        out_specs=full(),
        out_shape=jax.ShapeDtypeStruct((NBLK, LANES), jnp.int32),
    )(mz, mg, mp)


def _gather_body(ci_hbm, tab_hbm, out_hbm, idx_all, rows2,
                 sg0, sg1, ss0, ss1):
    sg = [sg0, sg1]
    ss = [ss0, ss1]
    wid = lax.axis_index("s") * 2 + lax.axis_index("c")
    base = wid * BLK_PER_W
    pltpu.sync_copy(ci_hbm.at[pl.ds(base, BLK_PER_W)], idx_all)

    def outer(t, _):
        for b in range(2):
            g = t * 2 + b
            tok0 = (base + g * SB) * LANES
            @pl.when(g >= 2)
            def _wait_prev_store():
                pltpu.make_async_copy(
                    rows2.at[b],
                    out_hbm.at[pl.ds(tok0 - 2 * SB * LANES, SB * LANES),
                               pl.ds(0, NOUT)],
                    ss[b]).wait()

            descs = [
                pltpu.async_copy(
                    tab_hbm.at[idx_all.at[g * SB + j]],
                    rows2.at[b].at[pl.ds(j * LANES, LANES)],
                    sg[b])
                for j in range(SB)
            ]
            for d in descs:
                d.wait()
            pltpu.async_copy(
                rows2.at[b],
                out_hbm.at[pl.ds(tok0, SB * LANES), pl.ds(0, NOUT)],
                ss[b])
        return ()

    lax.fori_loop(0, NSB // 2, outer, ())

    for b in range(2):
        gl = NSB - 2 + b
        tok0 = (base + gl * SB) * LANES
        pltpu.make_async_copy(
            rows2.at[b],
            out_hbm.at[pl.ds(tok0, SB * LANES), pl.ds(0, NOUT)],
            ss[b]).wait()


TCHUNK = 4096


def _transpose_body(x_ref, out_ref):
    out_ref[...] = jnp.transpose(x_ref[...][:, 0:NOUT], (1, 0))[None]


def _transpose_out(x):
    return pl.pallas_call(
        _transpose_body,
        grid=(50, 16384 // TCHUNK),
        in_specs=[pl.BlockSpec((TCHUNK, 128),
                               lambda l, j: (l * (16384 // TCHUNK) + j, 0))],
        out_specs=pl.BlockSpec((1, NOUT, TCHUNK), lambda l, j: (l, 0, j)),
        out_shape=jax.ShapeDtypeStruct((50, NOUT, 16384), jnp.float32),
    )(x)


def _gather(ci, table):
    mesh = plsc.VectorSubcoreMesh(core_axis_name="c", subcore_axis_name="s")
    k = functools.partial(
        pl.kernel,
        mesh=mesh,
        compiler_params=pltpu.CompilerParams(use_tc_tiling_on_sc=False),
        out_type=jax.ShapeDtypeStruct((NTOK, 128), jnp.float32),
        scratch_types=[
            pltpu.VMEM((BLK_PER_W, LANES), jnp.int32),
            pltpu.VMEM((2, SB * LANES, NOUT), jnp.float32),
            pltpu.SemaphoreType.DMA,
            pltpu.SemaphoreType.DMA,
            pltpu.SemaphoreType.DMA,
            pltpu.SemaphoreType.DMA,
        ],
    )(_gather_body)
    return k(ci, table)


def kernel(metals, mgp, mpd, src_emb, gp_emb, pd_emb, W1, b1, W2, b2):
    src_pad = jnp.zeros((128, NB), jnp.float32).at[:NZ].set(src_emb)
    gp_pad = jnp.zeros((32, NB), jnp.float32).at[:NG].set(gp_emb)

    table = _build_table(src_pad, gp_pad, pd_emb, W1, b1, W2, b2)

    mz = metals.T.reshape(NBLK, LANES).astype(jnp.int32)
    mg = mgp.T.reshape(NBLK, LANES).astype(jnp.int32)
    mp = mpd.T.reshape(NBLK, LANES).astype(jnp.int32)
    ci = _combine_indices(mz, mg, mp)

    gathered = _gather(ci, table)
    out_t = _transpose_out(gathered)
    return jnp.transpose(out_t, (2, 0, 1))

# --- scband reference (transcript-rebuilt; emitter-appended) ---
"""Pipeline reference for scband-metal-embedding-30597347017237 (READ-ONLY COPY).

The authoritative reference and input builder live on the scoring server;
editing this copy changes nothing except your own understanding.
"""

import jax, jax.numpy as jnp
import numpy as np

B, L = 16384, 50
MAX_Z, NB, NOUT = 119, 32, 64
HID = 3 * NB

def setup_inputs(seed: int = 0):
    key = jax.random.key(seed)
    ks = jax.random.split(key, 10)
    metals = jax.random.randint(ks[0], (B, L), 0, MAX_Z)
    mgp = jax.random.randint(ks[1], (B, L), 0, 20)
    mpd = jax.random.randint(ks[2], (B, L), 0, 8)
    # embedding tables; padding_idx=0 -> row 0 is zeros
    src_emb = (jax.random.normal(ks[3], (MAX_Z, NB), dtype=jnp.float32)).at[0].set(0.0)
    gp_emb = (jax.random.normal(ks[4], (20, NB), dtype=jnp.float32)).at[0].set(0.0)
    pd_emb = (jax.random.normal(ks[5], (8, NB), dtype=jnp.float32)).at[0].set(0.0)
    # Dense(HID, HID, ReLU) then Dense(HID, NOUT)
    W1 = jax.random.normal(ks[6], (HID, HID), dtype=jnp.float32) * (1.0 / np.sqrt(HID))
    b1 = jnp.zeros((HID,), dtype=jnp.float32)
    W2 = jax.random.normal(ks[7], (HID, NOUT), dtype=jnp.float32) * (1.0 / np.sqrt(HID))
    b2 = jnp.zeros((NOUT,), dtype=jnp.float32)
    return {"metals": metals, "mgp": mgp, "mpd": mpd,
            "src_emb": src_emb, "gp_emb": gp_emb, "pd_emb": pd_emb,
            "W1": W1, "b1": b1, "W2": W2, "b2": b2}

def reference(metals, mgp, mpd, src_emb, gp_emb, pd_emb, W1, b1, W2, b2):
    m = jnp.take(src_emb, metals, axis=0)
    g = jnp.take(gp_emb, mgp, axis=0)
    p = jnp.take(pd_emb, mpd, axis=0)
    e = jnp.concatenate([m, g, p], axis=-1)
    h = jax.nn.relu(jnp.dot(e, W1) + b1)
    out = jnp.dot(h, W2) + b2
    return out

if __name__ == "__main__":
    import jax
    _d = setup_inputs()
    print(jax.jit(kernel)(*tuple(_d.values())))

</pallas_src>

<mosaic_0001>
#map = affine_map<(d0, d1) -> (0, 0)>
module attributes {stable_mosaic.version = 14 : i64} {
  func.func @_gather_body(%arg0: i32, %arg1: i32, %arg2: memref<6400x128xi32, #tpu.memory_space<hbm>>, %arg3: memref<19040x64xf32, #tpu.memory_space<hbm>>, %arg4: memref<819200x128xf32, #tpu.memory_space<hbm>>, %arg5: memref<200x128xi32, #tpu.memory_space<vmem>>, %arg6: memref<2x640x64xf32, #tpu.memory_space<vmem>>, %arg7: memref<!tpu.dma_semaphore, #tpu.memory_space<semaphore_mem>>, %arg8: memref<!tpu.dma_semaphore, #tpu.memory_space<semaphore_mem>>, %arg9: memref<!tpu.dma_semaphore, #tpu.memory_space<semaphore_mem>>, %arg10: memref<!tpu.dma_semaphore, #tpu.memory_space<semaphore_mem>>) attributes {dimension_semantics = [#tpu.dimension_semantics<core_parallel>, #tpu.dimension_semantics<subcore_parallel>], iteration_bounds = array<i64: 2, 16>, scalar_prefetch = 0 : i64, scratch_operands = 6 : i64, tpu.core_type = #tpu.core_type<sc_vector_subcore>, window_params = [{transform_indices = #map}, {transform_indices = #map}, {transform_indices = #map}]} {
    %mul3A = arith.constant 2 : i32
    %mul3A_0 = arith.muli %arg1, %mul3A : i32
    %add3A = arith.addi %mul3A_0, %arg0 : i32
    %mul3A_1 = arith.constant 200 : i32
    %mul3A_2 = arith.muli %add3A, %mul3A_1 : i32
    "tpu.region"() ({
      %run_scoped3A = tpu.sem_alloc : memref<!tpu.dma_semaphore, #tpu.memory_space<semaphore_mem>>
      %dma_start3A = arith.constant 0 : i32
      %dma_start3A_40 = tpu.memref_slice %arg2[%mul3A_2, %dma_start3A] : memref<6400x128xi32, #tpu.memory_space<hbm>> -> memref<200x128xi32, #tpu.memory_space<hbm>>
      %dma_start3A_41 = arith.constant 0 : i32
      %dma_start3A_42 = tpu.memref_slice %arg2[%mul3A_2, %dma_start3A_41] : memref<6400x128xi32, #tpu.memory_space<hbm>> -> memref<200x128xi32, #tpu.memory_space<hbm>>
      tpu.enqueue_dma source(%dma_start3A_42 : memref<200x128xi32, #tpu.memory_space<hbm>>) target(%arg5 : memref<200x128xi32, #tpu.memory_space<vmem>>) target_semaphore(%run_scoped3A : memref<!tpu.dma_semaphore, #tpu.memory_space<semaphore_mem>>)
      %dma_wait3A_43 = arith.constant 0 : i32
      %dma_wait3A_44 = tpu.memref_slice %arg2[%mul3A_2, %dma_wait3A_43] : memref<6400x128xi32, #tpu.memory_space<hbm>> -> memref<200x128xi32, #tpu.memory_space<hbm>>
      %dma_wait3A_45 = arith.constant 0 : i32
      %dma_wait3A_46 = tpu.memref_slice %arg2[%mul3A_2, %dma_wait3A_45] : memref<6400x128xi32, #tpu.memory_space<hbm>> -> memref<200x128xi32, #tpu.memory_space<hbm>>
      tpu.wait_dma2 semaphore(%run_scoped3A : memref<!tpu.dma_semaphore, #tpu.memory_space<semaphore_mem>>) src(%dma_wait3A_46 : memref<200x128xi32, #tpu.memory_space<hbm>>) dst(%arg5 : memref<200x128xi32, #tpu.memory_space<vmem>>)
      tpu.yield
    }) : () -> ()
    %scan3A = arith.constant 0 : i32
    %scan3A_3 = arith.constant 20 : i32
    %scan3A_4 = arith.addi %scan3A, %scan3A_3 : i32
    %scan3A_5 = arith.constant 1 : i32
    scf.for %scan3A_40 = %scan3A to %scan3A_4 step %scan3A_5  : i32 {
      %mul3A_41 = arith.constant 2 : i32
      %mul3A_42 = arith.muli %scan3A_40, %mul3A_41 : i32
      %add3A_43 = arith.constant 0 : i32
      %add3A_44 = arith.addi %mul3A_42, %add3A_43 : i32
      %mul3A_45 = arith.constant 5 : i32
      %mul3A_46 = arith.muli %add3A_44, %mul3A_45 : i32
      %add3A_47 = arith.addi %mul3A_2, %mul3A_46 : i32
      %mul3A_48 = arith.constant 128 : i32
      %mul3A_49 = arith.muli %add3A_47, %mul3A_48 : i32
      %ge3A = arith.constant 2 : i32
      %ge3A_50 = arith.cmpi sge, %add3A_44, %ge3A : i32
      %convert_element_type3A = arith.extui %ge3A_50 : i1 to i32
      %cond3A = arith.constant 0 : i32
      %cond3A_51 = arith.cmpi ne, %convert_element_type3A, %cond3A : i32
      scf.if %cond3A_51 {
        %sub3A = arith.constant 1280 : i32
        %sub3A_411 = arith.subi %mul3A_49, %sub3A : i32
        %dma_wait3A_412 = arith.constant 0 : i32
        %dma_wait3A_413 = arith.constant 0 : i32
        %dma_wait3A_414 = arith.constant 0 : i32
        %dma_wait3A_415 = tpu.memref_slice %arg6[%dma_wait3A_412, %dma_wait3A_413, %dma_wait3A_414] : memref<2x640x64xf32, #tpu.memory_space<vmem>> -> memref<1x640x64xf32, #tpu.memory_space<vmem>>
        %dma_wait3A_416 = tpu.memref_squeeze %dma_wait3A_415 : memref<1x640x64xf32, #tpu.memory_space<vmem>> -> memref<640x64xf32, #tpu.memory_space<vmem>>
        %dma_wait3A_417 = arith.constant 0 : i32
        %dma_wait3A_418 = tpu.memref_slice %arg4[%sub3A_411, %dma_wait3A_417] : memref<819200x128xf32, #tpu.memory_space<hbm>> -> memref<640x64xf32, #tpu.memory_space<hbm>>
        %dma_wait3A_419 = arith.constant 0 : i32
        %dma_wait3A_420 = tpu.memref_slice %arg4[%sub3A_411, %dma_wait3A_419] : memref<819200x128xf32, #tpu.memory_space<hbm>> -> memref<640x64xf32, #tpu.memory_space<hbm>>
        %dma_wait3A_421 = arith.constant 0 : i32
        %dma_wait3A_422 = arith.constant 0 : i32
        %dma_wait3A_423 = tpu.memref_slice %arg6[%dma_wait3A_412, %dma_wait3A_421, %dma_wait3A_422] : memref<2x640x64xf32, #tpu.memory_space<vmem>> -> memref<1x640x64xf32, #tpu.memory_space<vmem>>
        %dma_wait3A_424 = tpu.memref_squeeze %dma_wait3A_423 : memref<1x640x64xf32, #tpu.memory_space<vmem>> -> memref<640x64xf32, #tpu.memory_space<vmem>>
        tpu.wait_dma2 semaphore(%arg9 : memref<!tpu.dma_semaphore, #tpu.memory_space<semaphore_mem>>) src(%dma_wait3A_424 : memref<640x64xf32, #tpu.memory_space<vmem>>) dst(%dma_wait3A_420 : memref<640x64xf32, #tpu.memory_space<hbm>>)
      } else {
      }
      %mul3A_52 = arith.constant 5 : i32
      %mul3A_53 = arith.muli %add3A_44, %mul3A_52 : i32
      %add3A_54 = arith.constant 0 : i32
      %add3A_55 = arith.addi %mul3A_53, %add3A_54 : i32
      %dma_start3A = arith.constant 0 : i32
      %dma_start3A_56 = arith.constant 0 : i32
      %dma_start3A_57 = arith.constant 0 : i32
      %dma_start3A_58 = tpu.memref_slice %arg6[%dma_start3A, %dma_start3A_56, %dma_start3A_57] : memref<2x640x64xf32, #tpu.memory_space<vmem>> -> memref<1x640x64xf32, #tpu.memory_space<vmem>>
      %dma_start3A_59 = tpu.memref_squeeze %dma_start3A_58 : memref<1x640x64xf32, #tpu.memory_space<vmem>> -> memref<640x64xf32, #tpu.memory_space<vmem>>
      %dma_start3A_60 = arith.constant 0 : i32
      %dma_start3A_61 = arith.constant 0 : i32
      %dma_start3A_62 = tpu.memref_slice %dma_start3A_59[%dma_start3A_60, %dma_start3A_61] : memref<640x64xf32, #tpu.memory_space<vmem>> -> memref<128x64xf32, #tpu.memory_space<vmem>>
      %dma_start3A_63 = arith.constant 0 : i32
      %dma_start3A_64 = tpu.memref_slice %arg5[%add3A_55, %dma_start3A_63] : memref<200x128xi32, #tpu.memory_space<vmem>> -> memref<1x128xi32, #tpu.memory_space<vmem>>
      %dma_start3A_65 = tpu.memref_squeeze %dma_start3A_64 : memref<1x128xi32, #tpu.memory_space<vmem>> -> memref<128xi32, #tpu.memory_space<vmem>>
      %dma_start3A_66 = arith.constant 0 : i32
      %dma_start3A_67 = arith.constant 0 : i32
      %dma_start3A_68 = tpu.memref_slice %arg3[%dma_start3A_66, %dma_start3A_67] : memref<19040x64xf32, #tpu.memory_space<hbm>> -> memref<19040x64xf32, #tpu.memory_space<hbm>>
      tpu.enqueue_indirect_dma source(%dma_start3A_68 : memref<19040x64xf32, #tpu.memory_space<hbm>>) target(%dma_start3A_62 : memref<128x64xf32, #tpu.memory_space<vmem>>) offsets(%dma_start3A_65 : memref<128xi32, #tpu.memory_space<vmem>>) semaphore(%arg7 : memref<!tpu.dma_semaphore, #tpu.memory_space<semaphore_mem>>)
      %mul3A_69 = arith.constant 5 : i32
      %mul3A_70 = arith.muli %add3A_44, %mul3A_69 : i32
      %add3A_71 = arith.constant 1 : i32
      %add3A_72 = arith.addi %mul3A_70, %add3A_71 : i32
      %dma_start3A_73 = arith.constant 0 : i32
      %dma_start3A_74 = arith.constant 0 : i32
      %dma_start3A_75 = arith.constant 0 : i32
      %dma_start3A_76 = tpu.memref_slice %arg6[%dma_start3A_73, %dma_start3A_74, %dma_start3A_75] : memref<2x640x64xf32, #tpu.memory_space<vmem>> -> memref<1x640x64xf32, #tpu.memory_space<vmem>>
      %dma_start3A_77 = tpu.memref_squeeze %dma_start3A_76 : memref<1x640x64xf32, #tpu.memory_space<vmem>> -> memref<640x64xf32, #tpu.memory_space<vmem>>
      %dma_start3A_78 = arith.constant 128 : i32
      %dma_start3A_79 = arith.constant 0 : i32
      %dma_start3A_80 = tpu.memref_slice %dma_start3A_77[%dma_start3A_78, %dma_start3A_79] : memref<640x64xf32, #tpu.memory_space<vmem>> -> memref<128x64xf32, #tpu.memory_space<vmem>>
      %dma_start3A_81 = arith.constant 0 : i32
      %dma_start3A_82 = tpu.memref_slice %arg5[%add3A_72, %dma_start3A_81] : memref<200x128xi32, #tpu.memory_space<vmem>> -> memref<1x128xi32, #tpu.memory_space<vmem>>
      %dma_start3A_83 = tpu.memref_squeeze %dma_start3A_82 : memref<1x128xi32, #tpu.memory_space<vmem>> -> memref<128xi32, #tpu.memory_space<vmem>>
      %dma_start3A_84 = arith.constant 0 : i32
      %dma_start3A_85 = arith.constant 0 : i32
      %dma_start3A_86 = tpu.memref_slice %arg3[%dma_start3A_84, %dma_start3A_85] : memref<19040x64xf32, #tpu.memory_space<hbm>> -> memref<19040x64xf32, #tpu.memory_space<hbm>>
      tpu.enqueue_indirect_dma source(%dma_start3A_86 : memref<19040x64xf32, #tpu.memory_space<hbm>>) target(%dma_start3A_80 : memref<128x64xf32, #tpu.memory_space<vmem>>) offsets(%dma_start3A_83 : memref<128xi32, #tpu.memory_space<vmem>>) semaphore(%arg7 : memref<!tpu.dma_semaphore, #tpu.memory_space<semaphore_mem>>)
      %mul3A_87 = arith.constant 5 : i32
      %mul3A_88 = arith.muli %add3A_44, %mul3A_87 : i32
      %add3A_89 = arith.constant 2 : i32
      %add3A_90 = arith.addi %mul3A_88, %add3A_89 : i32
      %dma_start3A_91 = arith.constant 0 : i32
      %dma_start3A_92 = arith.constant 0 : i32
      %dma_start3A_93 = arith.constant 0 : i32
      %dma_start3A_94 = tpu.memref_slice %arg6[%dma_start3A_91, %dma_start3A_92, %dma_start3A_93] : memref<2x640x64xf32, #tpu.memory_space<vmem>> -> memref<1x640x64xf32, #tpu.memory_space<vmem>>
      %dma_start3A_95 = tpu.memref_squeeze %dma_start3A_94 : memref<1x640x64xf32, #tpu.memory_space<vmem>> -> memref<640x64xf32, #tpu.memory_space<vmem>>
      %dma_start3A_96 = arith.constant 256 : i32
      %dma_start3A_97 = arith.constant 0 : i32
      %dma_start3A_98 = tpu.memref_slice %dma_start3A_95[%dma_start3A_96, %dma_start3A_97] : memref<640x64xf32, #tpu.memory_space<vmem>> -> memref<128x64xf32, #tpu.memory_space<vmem>>
      %dma_start3A_99 = arith.constant 0 : i32
      %dma_start3A_100 = tpu.memref_slice %arg5[%add3A_90, %dma_start3A_99] : memref<200x128xi32, #tpu.memory_space<vmem>> -> memref<1x128xi32, #tpu.memory_space<vmem>>
      %dma_start3A_101 = tpu.memref_squeeze %dma_start3A_100 : memref<1x128xi32, #tpu.memory_space<vmem>> -> memref<128xi32, #tpu.memory_space<vmem>>
      %dma_start3A_102 = arith.constant 0 : i32
      %dma_start3A_103 = arith.constant 0 : i32
      %dma_start3A_104 = tpu.memref_slice %arg3[%dma_start3A_102, %dma_start3A_103] : memref<19040x64xf32, #tpu.memory_space<hbm>> -> memref<19040x64xf32, #tpu.memory_space<hbm>>
      tpu.enqueue_indirect_dma source(%dma_start3A_104 : memref<19040x64xf32, #tpu.memory_space<hbm>>) target(%dma_start3A_98 : memref<128x64xf32, #tpu.memory_space<vmem>>) offsets(%dma_start3A_101 : memref<128xi32, #tpu.memory_space<vmem>>) semaphore(%arg7 : memref<!tpu.dma_semaphore, #tpu.memory_space<semaphore_mem>>)
      %mul3A_105 = arith.constant 5 : i32
      %mul3A_106 = arith.muli %add3A_44, %mul3A_105 : i32
      %add3A_107 = arith.constant 3 : i32
      %add3A_108 = arith.addi %mul3A_106, %add3A_107 : i32
      %dma_start3A_109 = arith.constant 0 : i32
      %dma_start3A_110 = arith.constant 0 : i32
      %dma_start3A_111 = arith.constant 0 : i32
      %dma_start3A_112 = tpu.memref_slice %arg6[%dma_start3A_109, %dma_start3A_110, %dma_start3A_111] : memref<2x640x64xf32, #tpu.memory_space<vmem>> -> memref<1x640x64xf32, #tpu.memory_space<vmem>>
      %dma_start3A_113 = tpu.memref_squeeze %dma_start3A_112 : memref<1x640x64xf32, #tpu.memory_space<vmem>> -> memref<640x64xf32, #tpu.memory_space<vmem>>
      %dma_start3A_114 = arith.constant 384 : i32
      %dma_start3A_115 = arith.constant 0 : i32
      %dma_start3A_116 = tpu.memref_slice %dma_start3A_113[%dma_start3A_114, %dma_start3A_115] : memref<640x64xf32, #tpu.memory_space<vmem>> -> memref<128x64xf32, #tpu.memory_space<vmem>>
      %dma_start3A_117 = arith.constant 0 : i32
      %dma_start3A_118 = tpu.memref_slice %arg5[%add3A_108, %dma_start3A_117] : memref<200x128xi32, #tpu.memory_space<vmem>> -> memref<1x128xi32, #tpu.memory_space<vmem>>
      %dma_start3A_119 = tpu.memref_squeeze %dma_start3A_118 : memref<1x128xi32, #tpu.memory_space<vmem>> -> memref<128xi32, #tpu.memory_space<vmem>>
      %dma_start3A_120 = arith.constant 0 : i32
      %dma_start3A_121 = arith.constant 0 : i32
      %dma_start3A_122 = tpu.memref_slice %arg3[%dma_start3A_120, %dma_start3A_121] : memref<19040x64xf32, #tpu.memory_space<hbm>> -> memref<19040x64xf32, #tpu.memory_space<hbm>>
      tpu.enqueue_indirect_dma source(%dma_start3A_122 : memref<19040x64xf32, #tpu.memory_space<hbm>>) target(%dma_start3A_116 : memref<128x64xf32, #tpu.memory_space<vmem>>) offsets(%dma_start3A_119 : memref<128xi32, #tpu.memory_space<vmem>>) semaphore(%arg7 : memref<!tpu.dma_semaphore, #tpu.memory_space<semaphore_mem>>)
      %mul3A_123 = arith.constant 5 : i32
      %mul3A_124 = arith.muli %add3A_44, %mul3A_123 : i32
      %add3A_125 = arith.constant 4 : i32
      %add3A_126 = arith.addi %mul3A_124, %add3A_125 : i32
      %dma_start3A_127 = arith.constant 0 : i32
      %dma_start3A_128 = arith.constant 0 : i32
      %dma_start3A_129 = arith.constant 0 : i32
      %dma_start3A_130 = tpu.memref_slice %arg6[%dma_start3A_127, %dma_start3A_128, %dma_start3A_129] : memref<2x640x64xf32, #tpu.memory_space<vmem>> -> memref<1x640x64xf32, #tpu.memory_space<vmem>>
      %dma_start3A_131 = tpu.memref_squeeze %dma_start3A_130 : memref<1x640x64xf32, #tpu.memory_space<vmem>> -> memref<640x64xf32, #tpu.memory_space<vmem>>
      %dma_start3A_132 = arith.constant 512 : i32
      %dma_start3A_133 = arith.constant 0 : i32
      %dma_start3A_134 = tpu.memref_slice %dma_start3A_131[%dma_start3A_132, %dma_start3A_133] : memref<640x64xf32, #tpu.memory_space<vmem>> -> memref<128x64xf32, #tpu.memory_space<vmem>>
      %dma_start3A_135 = arith.constant 0 : i32
      %dma_start3A_136 = tpu.memref_slice %arg5[%add3A_126, %dma_start3A_135] : memref<200x128xi32, #tpu.memory_space<vmem>> -> memref<1x128xi32, #tpu.memory_space<vmem>>
      %dma_start3A_137 = tpu.memref_squeeze %dma_start3A_136 : memref<1x128xi32, #tpu.memory_space<vmem>> -> memref<128xi32, #tpu.memory_space<vmem>>
      %dma_start3A_138 = arith.constant 0 : i32
      %dma_start3A_139 = arith.constant 0 : i32
      %dma_start3A_140 = tpu.memref_slice %arg3[%dma_start3A_138, %dma_start3A_139] : memref<19040x64xf32, #tpu.memory_space<hbm>> -> memref<19040x64xf32, #tpu.memory_space<hbm>>
      tpu.enqueue_indirect_dma source(%dma_start3A_140 : memref<19040x64xf32, #tpu.memory_space<hbm>>) target(%dma_start3A_134 : memref<128x64xf32, #tpu.memory_space<vmem>>) offsets(%dma_start3A_137 : memref<128xi32, #tpu.memory_space<vmem>>) semaphore(%arg7 : memref<!tpu.dma_semaphore, #tpu.memory_space<semaphore_mem>>)
      %dma_wait3A_141 = arith.constant 0 : i32
      %dma_wait3A_142 = arith.constant 0 : i32
      %dma_wait3A_143 = arith.constant 0 : i32
      %dma_wait3A_144 = tpu.memref_slice %arg6[%dma_wait3A_141, %dma_wait3A_142, %dma_wait3A_143] : memref<2x640x64xf32, #tpu.memory_space<vmem>> -> memref<1x640x64xf32, #tpu.memory_space<vmem>>
      %dma_wait3A_145 = tpu.memref_squeeze %dma_wait3A_144 : memref<1x640x64xf32, #tpu.memory_space<vmem>> -> memref<640x64xf32, #tpu.memory_space<vmem>>
      %dma_wait3A_146 = arith.constant 0 : i32
      %dma_wait3A_147 = arith.constant 0 : i32
      %dma_wait3A_148 = tpu.memref_slice %dma_wait3A_145[%dma_wait3A_146, %dma_wait3A_147] : memref<640x64xf32, #tpu.memory_space<vmem>> -> memref<128x64xf32, #tpu.memory_space<vmem>>
      %dma_wait3A_149 = arith.constant 0 : i32
      %dma_wait3A_150 = tpu.memref_slice %arg5[%add3A_55, %dma_wait3A_149] : memref<200x128xi32, #tpu.memory_space<vmem>> -> memref<1x128xi32, #tpu.memory_space<vmem>>
      %dma_wait3A_151 = tpu.memref_squeeze %dma_wait3A_150 : memref<1x128xi32, #tpu.memory_space<vmem>> -> memref<128xi32, #tpu.memory_space<vmem>>
      %dma_wait3A_152 = arith.constant 0 : i32
      %dma_wait3A_153 = arith.constant 0 : i32
      %dma_wait3A_154 = tpu.memref_slice %arg3[%dma_wait3A_152, %dma_wait3A_153] : memref<19040x64xf32, #tpu.memory_space<hbm>> -> memref<19040x64xf32, #tpu.memory_space<hbm>>
      tpu.wait_indirect_dma semaphore(%arg7 : memref<!tpu.dma_semaphore, #tpu.memory_space<semaphore_mem>>) src(%dma_wait3A_154 : memref<19040x64xf32, #tpu.memory_space<hbm>>) dst(%dma_wait3A_148 : memref<128x64xf32, #tpu.memory_space<vmem>>)
      %dma_wait3A_155 = arith.constant 0 : i32
      %dma_wait3A_156 = arith.constant 0 : i32
      %dma_wait3A_157 = arith.constant 0 : i32
      %dma_wait3A_158 = tpu.memref_slice %arg6[%dma_wait3A_155, %dma_wait3A_156, %dma_wait3A_157] : memref<2x640x64xf32, #tpu.memory_space<vmem>> -> memref<1x640x64xf32, #tpu.memory_space<vmem>>
      %dma_wait3A_159 = tpu.memref_squeeze %dma_wait3A_158 : memref<1x640x64xf32, #tpu.memory_space<vmem>> -> memref<640x64xf32, #tpu.memory_space<vmem>>
      %dma_wait3A_160 = arith.constant 128 : i32
      %dma_wait3A_161 = arith.constant 0 : i32
      %dma_wait3A_162 = tpu.memref_slice %dma_wait3A_159[%dma_wait3A_160, %dma_wait3A_161] : memref<640x64xf32, #tpu.memory_space<vmem>> -> memref<128x64xf32, #tpu.memory_space<vmem>>
      %dma_wait3A_163 = arith.constant 0 : i32
      %dma_wait3A_164 = tpu.memref_slice %arg5[%add3A_72, %dma_wait3A_163] : memref<200x128xi32, #tpu.memory_space<vmem>> -> memref<1x128xi32, #tpu.memory_space<vmem>>
      %dma_wait3A_165 = tpu.memref_squeeze %dma_wait3A_164 : memref<1x128xi32, #tpu.memory_space<vmem>> -> memref<128xi32, #tpu.memory_space<vmem>>
      %dma_wait3A_166 = arith.constant 0 : i32
      %dma_wait3A_167 = arith.constant 0 : i32
      %dma_wait3A_168 = tpu.memref_slice %arg3[%dma_wait3A_166, %dma_wait3A_167] : memref<19040x64xf32, #tpu.memory_space<hbm>> -> memref<19040x64xf32, #tpu.memory_space<hbm>>
      tpu.wait_indirect_dma semaphore(%arg7 : memref<!tpu.dma_semaphore, #tpu.memory_space<semaphore_mem>>) src(%dma_wait3A_168 : memref<19040x64xf32, #tpu.memory_space<hbm>>) dst(%dma_wait3A_162 : memref<128x64xf32, #tpu.memory_space<vmem>>)
      %dma_wait3A_169 = arith.constant 0 : i32
      %dma_wait3A_170 = arith.constant 0 : i32
      %dma_wait3A_171 = arith.constant 0 : i32
      %dma_wait3A_172 = tpu.memref_slice %arg6[%dma_wait3A_169, %dma_wait3A_170, %dma_wait3A_171] : memref<2x640x64xf32, #tpu.memory_space<vmem>> -> memref<1x640x64xf32, #tpu.memory_space<vmem>>
      %dma_wait3A_173 = tpu.memref_squeeze %dma_wait3A_172 : memref<1x640x64xf32, #tpu.memory_space<vmem>> -> memref<640x64xf32, #tpu.memory_space<vmem>>
      %dma_wait3A_174 = arith.constant 256 : i32
      %dma_wait3A_175 = arith.constant 0 : i32
      %dma_wait3A_176 = tpu.memref_slice %dma_wait3A_173[%dma_wait3A_174, %dma_wait3A_175] : memref<640x64xf32, #tpu.memory_space<vmem>> -> memref<128x64xf32, #tpu.memory_space<vmem>>
      %dma_wait3A_177 = arith.constant 0 : i32
      %dma_wait3A_178 = tpu.memref_slice %arg5[%add3A_90, %dma_wait3A_177] : memref<200x128xi32, #tpu.memory_space<vmem>> -> memref<1x128xi32, #tpu.memory_space<vmem>>
      %dma_wait3A_179 = tpu.memref_squeeze %dma_wait3A_178 : memref<1x128xi32, #tpu.memory_space<vmem>> -> memref<128xi32, #tpu.memory_space<vmem>>
      %dma_wait3A_180 = arith.constant 0 : i32
      %dma_wait3A_181 = arith.constant 0 : i32
      %dma_wait3A_182 = tpu.memref_slice %arg3[%dma_wait3A_180, %dma_wait3A_181] : memref<19040x64xf32, #tpu.memory_space<hbm>> -> memref<19040x64xf32, #tpu.memory_space<hbm>>
      tpu.wait_indirect_dma semaphore(%arg7 : memref<!tpu.dma_semaphore, #tpu.memory_space<semaphore_mem>>) src(%dma_wait3A_182 : memref<19040x64xf32, #tpu.memory_space<hbm>>) dst(%dma_wait3A_176 : memref<128x64xf32, #tpu.memory_space<vmem>>)
      %dma_wait3A_183 = arith.constant 0 : i32
      %dma_wait3A_184 = arith.constant 0 : i32
      %dma_wait3A_185 = arith.constant 0 : i32
      %dma_wait3A_186 = tpu.memref_slice %arg6[%dma_wait3A_183, %dma_wait3A_184, %dma_wait3A_185] : memref<2x640x64xf32, #tpu.memory_space<vmem>> -> memref<1x640x64xf32, #tpu.memory_space<vmem>>
      %dma_wait3A_187 = tpu.memref_squeeze %dma_wait3A_186 : memref<1x640x64xf32, #tpu.memory_space<vmem>> -> memref<640x64xf32, #tpu.memory_space<vmem>>
      %dma_wait3A_188 = arith.constant 384 : i32
      %dma_wait3A_189 = arith.constant 0 : i32
      %dma_wait3A_190 = tpu.memref_slice %dma_wait3A_187[%dma_wait3A_188, %dma_wait3A_189] : memref<640x64xf32, #tpu.memory_space<vmem>> -> memref<128x64xf32, #tpu.memory_space<vmem>>
      %dma_wait3A_191 = arith.constant 0 : i32
      %dma_wait3A_192 = tpu.memref_slice %arg5[%add3A_108, %dma_wait3A_191] : memref<200x128xi32, #tpu.memory_space<vmem>> -> memref<1x128xi32, #tpu.memory_space<vmem>>
      %dma_wait3A_193 = tpu.memref_squeeze %dma_wait3A_192 : memref<1x128xi32, #tpu.memory_space<vmem>> -> memref<128xi32, #tpu.memory_space<vmem>>
      %dma_wait3A_194 = arith.constant 0 : i32
      %dma_wait3A_195 = arith.constant 0 : i32
      %dma_wait3A_196 = tpu.memref_slice %arg3[%dma_wait3A_194, %dma_wait3A_195] : memref<19040x64xf32, #tpu.memory_space<hbm>> -> memref<19040x64xf32, #tpu.memory_space<hbm>>
      tpu.wait_indirect_dma semaphore(%arg7 : memref<!tpu.dma_semaphore, #tpu.memory_space<semaphore_mem>>) src(%dma_wait3A_196 : memref<19040x64xf32, #tpu.memory_space<hbm>>) dst(%dma_wait3A_190 : memref<128x64xf32, #tpu.memory_space<vmem>>)
      %dma_wait3A_197 = arith.constant 0 : i32
      %dma_wait3A_198 = arith.constant 0 : i32
      %dma_wait3A_199 = arith.constant 0 : i32
      %dma_wait3A_200 = tpu.memref_slice %arg6[%dma_wait3A_197, %dma_wait3A_198, %dma_wait3A_199] : memref<2x640x64xf32, #tpu.memory_space<vmem>> -> memref<1x640x64xf32, #tpu.memory_space<vmem>>
      %dma_wait3A_201 = tpu.memref_squeeze %dma_wait3A_200 : memref<1x640x64xf32, #tpu.memory_space<vmem>> -> memref<640x64xf32, #tpu.memory_space<vmem>>
      %dma_wait3A_202 = arith.constant 512 : i32
      %dma_wait3A_203 = arith.constant 0 : i32
      %dma_wait3A_204 = tpu.memref_slice %dma_wait3A_201[%dma_wait3A_202, %dma_wait3A_203] : memref<640x64xf32, #tpu.memory_space<vmem>> -> memref<128x64xf32, #tpu.memory_space<vmem>>
      %dma_wait3A_205 = arith.constant 0 : i32
      %dma_wait3A_206 = tpu.memref_slice %arg5[%add3A_126, %dma_wait3A_205] : memref<200x128xi32, #tpu.memory_space<vmem>> -> memref<1x128xi32, #tpu.memory_space<vmem>>
      %dma_wait3A_207 = tpu.memref_squeeze %dma_wait3A_206 : memref<1x128xi32, #tpu.memory_space<vmem>> -> memref<128xi32, #tpu.memory_space<vmem>>
      %dma_wait3A_208 = arith.constant 0 : i32
      %dma_wait3A_209 = arith.constant 0 : i32
      %dma_wait3A_210 = tpu.memref_slice %arg3[%dma_wait3A_208, %dma_wait3A_209] : memref<19040x64xf32, #tpu.memory_space<hbm>> -> memref<19040x64xf32, #tpu.memory_space<hbm>>
      tpu.wait_indirect_dma semaphore(%arg7 : memref<!tpu.dma_semaphore, #tpu.memory_space<semaphore_mem>>) src(%dma_wait3A_210 : memref<19040x64xf32, #tpu.memory_space<hbm>>) dst(%dma_wait3A_204 : memref<128x64xf32, #tpu.memory_space<vmem>>)
      %dma_start3A_211 = arith.constant 0 : i32
      %dma_start3A_212 = arith.constant 0 : i32
      %dma_start3A_213 = arith.constant 0 : i32
      %dma_start3A_214 = tpu.memref_slice %arg6[%dma_start3A_211, %dma_start3A_212, %dma_start3A_213] : memref<2x640x64xf32, #tpu.memory_space<vmem>> -> memref<1x640x64xf32, #tpu.memory_space<vmem>>
      %dma_start3A_215 = tpu.memref_squeeze %dma_start3A_214 : memref<1x640x64xf32, #tpu.memory_space<vmem>> -> memref<640x64xf32, #tpu.memory_space<vmem>>
      %dma_start3A_216 = arith.constant 0 : i32
      %dma_start3A_217 = tpu.memref_slice %arg4[%mul3A_49, %dma_start3A_216] : memref<819200x128xf32, #tpu.memory_space<hbm>> -> memref<640x64xf32, #tpu.memory_space<hbm>>
      %dma_start3A_218 = arith.constant 0 : i32
      %dma_start3A_219 = tpu.memref_slice %arg4[%mul3A_49, %dma_start3A_218] : memref<819200x128xf32, #tpu.memory_space<hbm>> -> memref<640x64xf32, #tpu.memory_space<hbm>>
      %dma_start3A_220 = arith.constant 0 : i32
      %dma_start3A_221 = arith.constant 0 : i32
      %dma_start3A_222 = tpu.memref_slice %arg6[%dma_start3A_211, %dma_start3A_220, %dma_start3A_221] : memref<2x640x64xf32, #tpu.memory_space<vmem>> -> memref<1x640x64xf32, #tpu.memory_space<vmem>>
      %dma_start3A_223 = tpu.memref_squeeze %dma_start3A_222 : memref<1x640x64xf32, #tpu.memory_space<vmem>> -> memref<640x64xf32, #tpu.memory_space<vmem>>
      tpu.enqueue_dma source(%dma_start3A_223 : memref<640x64xf32, #tpu.memory_space<vmem>>) target(%dma_start3A_219 : memref<640x64xf32, #tpu.memory_space<hbm>>) target_semaphore(%arg9 : memref<!tpu.dma_semaphore, #tpu.memory_space<semaphore_mem>>)
      %mul3A_224 = arith.constant 2 : i32
      %mul3A_225 = arith.muli %scan3A_40, %mul3A_224 : i32
      %add3A_226 = arith.constant 1 : i32
      %add3A_227 = arith.addi %mul3A_225, %add3A_226 : i32
      %mul3A_228 = arith.constant 5 : i32
      %mul3A_229 = arith.muli %add3A_227, %mul3A_228 : i32
      %add3A_230 = arith.addi %mul3A_2, %mul3A_229 : i32
      %mul3A_231 = arith.constant 128 : i32
      %mul3A_232 = arith.muli %add3A_230, %mul3A_231 : i32
      %ge3A_233 = arith.constant 2 : i32
      %ge3A_234 = arith.cmpi sge, %add3A_227, %ge3A_233 : i32
      %convert_element_type3A_235 = arith.extui %ge3A_234 : i1 to i32
      %cond3A_236 = arith.constant 0 : i32
      %cond3A_237 = arith.cmpi ne, %convert_element_type3A_235, %cond3A_236 : i32
      scf.if %cond3A_237 {
        %sub3A = arith.constant 1280 : i32
        %sub3A_411 = arith.subi %mul3A_232, %sub3A : i32
        %dma_wait3A_412 = arith.constant 1 : i32
        %dma_wait3A_413 = arith.constant 0 : i32
        %dma_wait3A_414 = arith.constant 0 : i32
        %dma_wait3A_415 = tpu.memref_slice %arg6[%dma_wait3A_412, %dma_wait3A_413, %dma_wait3A_414] : memref<2x640x64xf32, #tpu.memory_space<vmem>> -> memref<1x640x64xf32, #tpu.memory_space<vmem>>
        %dma_wait3A_416 = tpu.memref_squeeze %dma_wait3A_415 : memref<1x640x64xf32, #tpu.memory_space<vmem>> -> memref<640x64xf32, #tpu.memory_space<vmem>>
        %dma_wait3A_417 = arith.constant 0 : i32
        %dma_wait3A_418 = tpu.memref_slice %arg4[%sub3A_411, %dma_wait3A_417] : memref<819200x128xf32, #tpu.memory_space<hbm>> -> memref<640x64xf32, #tpu.memory_space<hbm>>
        %dma_wait3A_419 = arith.constant 0 : i32
        %dma_wait3A_420 = tpu.memref_slice %arg4[%sub3A_411, %dma_wait3A_419] : memref<819200x128xf32, #tpu.memory_space<hbm>> -> memref<640x64xf32, #tpu.memory_space<hbm>>
        %dma_wait3A_421 = arith.constant 0 : i32
        %dma_wait3A_422 = arith.constant 0 : i32
        %dma_wait3A_423 = tpu.memref_slice %arg6[%dma_wait3A_412, %dma_wait3A_421, %dma_wait3A_422] : memref<2x640x64xf32, #tpu.memory_space<vmem>> -> memref<1x640x64xf32, #tpu.memory_space<vmem>>
        %dma_wait3A_424 = tpu.memref_squeeze %dma_wait3A_423 : memref<1x640x64xf32, #tpu.memory_space<vmem>> -> memref<640x64xf32, #tpu.memory_space<vmem>>
        tpu.wait_dma2 semaphore(%arg10 : memref<!tpu.dma_semaphore, #tpu.memory_space<semaphore_mem>>) src(%dma_wait3A_424 : memref<640x64xf32, #tpu.memory_space<vmem>>) dst(%dma_wait3A_420 : memref<640x64xf32, #tpu.memory_space<hbm>>)
      } else {
      }
      %mul3A_238 = arith.constant 5 : i32
      %mul3A_239 = arith.muli %add3A_227, %mul3A_238 : i32
      %add3A_240 = arith.constant 0 : i32
      %add3A_241 = arith.addi %mul3A_239, %add3A_240 : i32
      %dma_start3A_242 = arith.constant 1 : i32
      %dma_start3A_243 = arith.constant 0 : i32
      %dma_start3A_244 = arith.constant 0 : i32
      %dma_start3A_245 = tpu.memref_slice %arg6[%dma_start3A_242, %dma_start3A_243, %dma_start3A_244] : memref<2x640x64xf32, #tpu.memory_space<vmem>> -> memref<1x640x64xf32, #tpu.memory_space<vmem>>
      %dma_start3A_246 = tpu.memref_squeeze %dma_start3A_245 : memref<1x640x64xf32, #tpu.memory_space<vmem>> -> memref<640x64xf32, #tpu.memory_space<vmem>>
      %dma_start3A_247 = arith.constant 0 : i32
      %dma_start3A_248 = arith.constant 0 : i32
      %dma_start3A_249 = tpu.memref_slice %dma_start3A_246[%dma_start3A_247, %dma_start3A_248] : memref<640x64xf32, #tpu.memory_space<vmem>> -> memref<128x64xf32, #tpu.memory_space<vmem>>
      %dma_start3A_250 = arith.constant 0 : i32
      %dma_start3A_251 = tpu.memref_slice %arg5[%add3A_241, %dma_start3A_250] : memref<200x128xi32, #tpu.memory_space<vmem>> -> memref<1x128xi32, #tpu.memory_space<vmem>>
      %dma_start3A_252 = tpu.memref_squeeze %dma_start3A_251 : memref<1x128xi32, #tpu.memory_space<vmem>> -> memref<128xi32, #tpu.memory_space<vmem>>
      %dma_start3A_253 = arith.constant 0 : i32
      %dma_start3A_254 = arith.constant 0 : i32
      %dma_start3A_255 = tpu.memref_slice %arg3[%dma_start3A_253, %dma_start3A_254] : memref<19040x64xf32, #tpu.memory_space<hbm>> -> memref<19040x64xf32, #tpu.memory_space<hbm>>
      tpu.enqueue_indirect_dma source(%dma_start3A_255 : memref<19040x64xf32, #tpu.memory_space<hbm>>) target(%dma_start3A_249 : memref<128x64xf32, #tpu.memory_space<vmem>>) offsets(%dma_start3A_252 : memref<128xi32, #tpu.memory_space<vmem>>) semaphore(%arg8 : memref<!tpu.dma_semaphore, #tpu.memory_space<semaphore_mem>>)
      %mul3A_256 = arith.constant 5 : i32
      %mul3A_257 = arith.muli %add3A_227, %mul3A_256 : i32
      %add3A_258 = arith.constant 1 : i32
      %add3A_259 = arith.addi %mul3A_257, %add3A_258 : i32
      %dma_start3A_260 = arith.constant 1 : i32
      %dma_start3A_261 = arith.constant 0 : i32
      %dma_start3A_262 = arith.constant 0 : i32
      %dma_start3A_263 = tpu.memref_slice %arg6[%dma_start3A_260, %dma_start3A_261, %dma_start3A_262] : memref<2x640x64xf32, #tpu.memory_space<vmem>> -> memref<1x640x64xf32, #tpu.memory_space<vmem>>
      %dma_start3A_264 = tpu.memref_squeeze %dma_start3A_263 : memref<1x640x64xf32, #tpu.memory_space<vmem>> -> memref<640x64xf32, #tpu.memory_space<vmem>>
      %dma_start3A_265 = arith.constant 128 : i32
      %dma_start3A_266 = arith.constant 0 : i32
      %dma_start3A_267 = tpu.memref_slice %dma_start3A_264[%dma_start3A_265, %dma_start3A_266] : memref<640x64xf32, #tpu.memory_space<vmem>> -> memref<128x64xf32, #tpu.memory_space<vmem>>
      %dma_start3A_268 = arith.constant 0 : i32
      %dma_start3A_269 = tpu.memref_slice %arg5[%add3A_259, %dma_start3A_268] : memref<200x128xi32, #tpu.memory_space<vmem>> -> memref<1x128xi32, #tpu.memory_space<vmem>>
      %dma_start3A_270 = tpu.memref_squeeze %dma_start3A_269 : memref<1x128xi32, #tpu.memory_space<vmem>> -> memref<128xi32, #tpu.memory_space<vmem>>
      %dma_start3A_271 = arith.constant 0 : i32
      %dma_start3A_272 = arith.constant 0 : i32
      %dma_start3A_273 = tpu.memref_slice %arg3[%dma_start3A_271, %dma_start3A_272] : memref<19040x64xf32, #tpu.memory_space<hbm>> -> memref<19040x64xf32, #tpu.memory_space<hbm>>
      tpu.enqueue_indirect_dma source(%dma_start3A_273 : memref<19040x64xf32, #tpu.memory_space<hbm>>) target(%dma_start3A_267 : memref<128x64xf32, #tpu.memory_space<vmem>>) offsets(%dma_start3A_270 : memref<128xi32, #tpu.memory_space<vmem>>) semaphore(%arg8 : memref<!tpu.dma_semaphore, #tpu.memory_space<semaphore_mem>>)
      %mul3A_274 = arith.constant 5 : i32
      %mul3A_275 = arith.muli %add3A_227, %mul3A_274 : i32
      %add3A_276 = arith.constant 2 : i32
      %add3A_277 = arith.addi %mul3A_275, %add3A_276 : i32
      %dma_start3A_278 = arith.constant 1 : i32
      %dma_start3A_279 = arith.constant 0 : i32
      %dma_start3A_280 = arith.constant 0 : i32
      %dma_start3A_281 = tpu.memref_slice %arg6[%dma_start3A_278, %dma_start3A_279, %dma_start3A_280] : memref<2x640x64xf32, #tpu.memory_space<vmem>> -> memref<1x640x64xf32, #tpu.memory_space<vmem>>
      %dma_start3A_282 = tpu.memref_squeeze %dma_start3A_281 : memref<1x640x64xf32, #tpu.memory_space<vmem>> -> memref<640x64xf32, #tpu.memory_space<vmem>>
      %dma_start3A_283 = arith.constant 256 : i32
      %dma_start3A_284 = arith.constant 0 : i32
      %dma_start3A_285 = tpu.memref_slice %dma_start3A_282[%dma_start3A_283, %dma_start3A_284] : memref<640x64xf32, #tpu.memory_space<vmem>> -> memref<128x64xf32, #tpu.memory_space<vmem>>
      %dma_start3A_286 = arith.constant 0 : i32
      %dma_start3A_287 = tpu.memref_slice %arg5[%add3A_277, %dma_start3A_286] : memref<200x128xi32, #tpu.memory_space<vmem>> -> memref<1x128xi32, #tpu.memory_space<vmem>>
      %dma_start3A_288 = tpu.memref_squeeze %dma_start3A_287 : memref<1x128xi32, #tpu.memory_space<vmem>> -> memref<128xi32, #tpu.memory_space<vmem>>
      %dma_start3A_289 = arith.constant 0 : i32
      %dma_start3A_290 = arith.constant 0 : i32
      %dma_start3A_291 = tpu.memref_slice %arg3[%dma_start3A_289, %dma_start3A_290] : memref<19040x64xf32, #tpu.memory_space<hbm>> -> memref<19040x64xf32, #tpu.memory_space<hbm>>
      tpu.enqueue_indirect_dma source(%dma_start3A_291 : memref<19040x64xf32, #tpu.memory_space<hbm>>) target(%dma_start3A_285 : memref<128x64xf32, #tpu.memory_space<vmem>>) offsets(%dma_start3A_288 : memref<128xi32, #tpu.memory_space<vmem>>) semaphore(%arg8 : memref<!tpu.dma_semaphore, #tpu.memory_space<semaphore_mem>>)
      %mul3A_292 = arith.constant 5 : i32
      %mul3A_293 = arith.muli %add3A_227, %mul3A_292 : i32
      %add3A_294 = arith.constant 3 : i32
      %add3A_295 = arith.addi %mul3A_293, %add3A_294 : i32
      %dma_start3A_296 = arith.constant 1 : i32
      %dma_start3A_297 = arith.constant 0 : i32
      %dma_start3A_298 = arith.constant 0 : i32
      %dma_start3A_299 = tpu.memref_slice %arg6[%dma_start3A_296, %dma_start3A_297, %dma_start3A_298] : memref<2x640x64xf32, #tpu.memory_space<vmem>> -> memref<1x640x64xf32, #tpu.memory_space<vmem>>
      %dma_start3A_300 = tpu.memref_squeeze %dma_start3A_299 : memref<1x640x64xf32, #tpu.memory_space<vmem>> -> memref<640x64xf32, #tpu.memory_space<vmem>>
      %dma_start3A_301 = arith.constant 384 : i32
      %dma_start3A_302 = arith.constant 0 : i32
      %dma_start3A_303 = tpu.memref_slice %dma_start3A_300[%dma_start3A_301, %dma_start3A_302] : memref<640x64xf32, #tpu.memory_space<vmem>> -> memref<128x64xf32, #tpu.memory_space<vmem>>
      %dma_start3A_304 = arith.constant 0 : i32
      %dma_start3A_305 = tpu.memref_slice %arg5[%add3A_295, %dma_start3A_304] : memref<200x128xi32, #tpu.memory_space<vmem>> -> memref<1x128xi32, #tpu.memory_space<vmem>>
      %dma_start3A_306 = tpu.memref_squeeze %dma_start3A_305 : memref<1x128xi32, #tpu.memory_space<vmem>> -> memref<128xi32, #tpu.memory_space<vmem>>
      %dma_start3A_307 = arith.constant 0 : i32
      %dma_start3A_308 = arith.constant 0 : i32
      %dma_start3A_309 = tpu.memref_slice %arg3[%dma_start3A_307, %dma_start3A_308] : memref<19040x64xf32, #tpu.memory_space<hbm>> -> memref<19040x64xf32, #tpu.memory_space<hbm>>
      tpu.enqueue_indirect_dma source(%dma_start3A_309 : memref<19040x64xf32, #tpu.memory_space<hbm>>) target(%dma_start3A_303 : memref<128x64xf32, #tpu.memory_space<vmem>>) offsets(%dma_start3A_306 : memref<128xi32, #tpu.memory_space<vmem>>) semaphore(%arg8 : memref<!tpu.dma_semaphore, #tpu.memory_space<semaphore_mem>>)
      %mul3A_310 = arith.constant 5 : i32
      %mul3A_311 = arith.muli %add3A_227, %mul3A_310 : i32
      %add3A_312 = arith.constant 4 : i32
      %add3A_313 = arith.addi %mul3A_311, %add3A_312 : i32
      %dma_start3A_314 = arith.constant 1 : i32
      %dma_start3A_315 = arith.constant 0 : i32
      %dma_start3A_316 = arith.constant 0 : i32
      %dma_start3A_317 = tpu.memref_slice %arg6[%dma_start3A_314, %dma_start3A_315, %dma_start3A_316] : memref<2x640x64xf32, #tpu.memory_space<vmem>> -> memref<1x640x64xf32, #tpu.memory_space<vmem>>
      %dma_start3A_318 = tpu.memref_squeeze %dma_start3A_317 : memref<1x640x64xf32, #tpu.memory_space<vmem>> -> memref<640x64xf32, #tpu.memory_space<vmem>>
      %dma_start3A_319 = arith.constant 512 : i32
      %dma_start3A_320 = arith.constant 0 : i32
      %dma_start3A_321 = tpu.memref_slice %dma_start3A_318[%dma_start3A_319, %dma_start3A_320] : memref<640x64xf32, #tpu.memory_space<vmem>> -> memref<128x64xf32, #tpu.memory_space<vmem>>
      %dma_start3A_322 = arith.constant 0 : i32
      %dma_start3A_323 = tpu.memref_slice %arg5[%add3A_313, %dma_start3A_322] : memref<200x128xi32, #tpu.memory_space<vmem>> -> memref<1x128xi32, #tpu.memory_space<vmem>>
      %dma_start3A_324 = tpu.memref_squeeze %dma_start3A_323 : memref<1x128xi32, #tpu.memory_space<vmem>> -> memref<128xi32, #tpu.memory_space<vmem>>
      %dma_start3A_325 = arith.constant 0 : i32
      %dma_start3A_326 = arith.constant 0 : i32
      %dma_start3A_327 = tpu.memref_slice %arg3[%dma_start3A_325, %dma_start3A_326] : memref<19040x64xf32, #tpu.memory_space<hbm>> -> memref<19040x64xf32, #tpu.memory_space<hbm>>
      tpu.enqueue_indirect_dma source(%dma_start3A_327 : memref<19040x64xf32, #tpu.memory_space<hbm>>) target(%dma_start3A_321 : memref<128x64xf32, #tpu.memory_space<vmem>>) offsets(%dma_start3A_324 : memref<128xi32, #tpu.memory_space<vmem>>) semaphore(%arg8 : memref<!tpu.dma_semaphore, #tpu.memory_space<semaphore_mem>>)
      %dma_wait3A_328 = arith.constant 1 : i32
      %dma_wait3A_329 = arith.constant 0 : i32
      %dma_wait3A_330 = arith.constant 0 : i32
      %dma_wait3A_331 = tpu.memref_slice %arg6[%dma_wait3A_328, %dma_wait3A_329, %dma_wait3A_330] : memref<2x640x64xf32, #tpu.memory_space<vmem>> -> memref<1x640x64xf32, #tpu.memory_space<vmem>>
      %dma_wait3A_332 = tpu.memref_squeeze %dma_wait3A_331 : memref<1x640x64xf32, #tpu.memory_space<vmem>> -> memref<640x64xf32, #tpu.memory_space<vmem>>
      %dma_wait3A_333 = arith.constant 0 : i32
      %dma_wait3A_334 = arith.constant 0 : i32
      %dma_wait3A_335 = tpu.memref_slice %dma_wait3A_332[%dma_wait3A_333, %dma_wait3A_334] : memref<640x64xf32, #tpu.memory_space<vmem>> -> memref<128x64xf32, #tpu.memory_space<vmem>>
      %dma_wait3A_336 = arith.constant 0 : i32
      %dma_wait3A_337 = tpu.memref_slice %arg5[%add3A_241, %dma_wait3A_336] : memref<200x128xi32, #tpu.memory_space<vmem>> -> memref<1x128xi32, #tpu.memory_space<vmem>>
      %dma_wait3A_338 = tpu.memref_squeeze %dma_wait3A_337 : memref<1x128xi32, #tpu.memory_space<vmem>> -> memref<128xi32, #tpu.memory_space<vmem>>
      %dma_wait3A_339 = arith.constant 0 : i32
      %dma_wait3A_340 = arith.constant 0 : i32
      %dma_wait3A_341 = tpu.memref_slice %arg3[%dma_wait3A_339, %dma_wait3A_340] : memref<19040x64xf32, #tpu.memory_space<hbm>> -> memref<19040x64xf32, #tpu.memory_space<hbm>>
      tpu.wait_indirect_dma semaphore(%arg8 : memref<!tpu.dma_semaphore, #tpu.memory_space<semaphore_mem>>) src(%dma_wait3A_341 : memref<19040x64xf32, #tpu.memory_space<hbm>>) dst(%dma_wait3A_335 : memref<128x64xf32, #tpu.memory_space<vmem>>)
      %dma_wait3A_342 = arith.constant 1 : i32
      %dma_wait3A_343 = arith.constant 0 : i32
      %dma_wait3A_344 = arith.constant 0 : i32
      %dma_wait3A_345 = tpu.memref_slice %arg6[%dma_wait3A_342, %dma_wait3A_343, %dma_wait3A_344] : memref<2x640x64xf32, #tpu.memory_space<vmem>> -> memref<1x640x64xf32, #tpu.memory_space<vmem>>
      %dma_wait3A_346 = tpu.memref_squeeze %dma_wait3A_345 : memref<1x640x64xf32, #tpu.memory_space<vmem>> -> memref<640x64xf32, #tpu.memory_space<vmem>>
      %dma_wait3A_347 = arith.constant 128 : i32
      %dma_wait3A_348 = arith.constant 0 : i32
      %dma_wait3A_349 = tpu.memref_slice %dma_wait3A_346[%dma_wait3A_347, %dma_wait3A_348] : memref<640x64xf32, #tpu.memory_space<vmem>> -> memref<128x64xf32, #tpu.memory_space<vmem>>
      %dma_wait3A_350 = arith.constant 0 : i32
      %dma_wait3A_351 = tpu.memref_slice %arg5[%add3A_259, %dma_wait3A_350] : memref<200x128xi32, #tpu.memory_space<vmem>> -> memref<1x128xi32, #tpu.memory_space<vmem>>
      %dma_wait3A_352 = tpu.memref_squeeze %dma_wait3A_351 : memref<1x128xi32, #tpu.memory_space<vmem>> -> memref<128xi32, #tpu.memory_space<vmem>>
      %dma_wait3A_353 = arith.constant 0 : i32
      %dma_wait3A_354 = arith.constant 0 : i32
      %dma_wait3A_355 = tpu.memref_slice %arg3[%dma_wait3A_353, %dma_wait3A_354] : memref<19040x64xf32, #tpu.memory_space<hbm>> -> memref<19040x64xf32, #tpu.memory_space<hbm>>
      tpu.wait_indirect_dma semaphore(%arg8 : memref<!tpu.dma_semaphore, #tpu.memory_space<semaphore_mem>>) src(%dma_wait3A_355 : memref<19040x64xf32, #tpu.memory_space<hbm>>) dst(%dma_wait3A_349 : memref<128x64xf32, #tpu.memory_space<vmem>>)
      %dma_wait3A_356 = arith.constant 1 : i32
      %dma_wait3A_357 = arith.constant 0 : i32
      %dma_wait3A_358 = arith.constant 0 : i32
      %dma_wait3A_359 = tpu.memref_slice %arg6[%dma_wait3A_356, %dma_wait3A_357, %dma_wait3A_358] : memref<2x640x64xf32, #tpu.memory_space<vmem>> -> memref<1x640x64xf32, #tpu.memory_space<vmem>>
      %dma_wait3A_360 = tpu.memref_squeeze %dma_wait3A_359 : memref<1x640x64xf32, #tpu.memory_space<vmem>> -> memref<640x64xf32, #tpu.memory_space<vmem>>
      %dma_wait3A_361 = arith.constant 256 : i32
      %dma_wait3A_362 = arith.constant 0 : i32
      %dma_wait3A_363 = tpu.memref_slice %dma_wait3A_360[%dma_wait3A_361, %dma_wait3A_362] : memref<640x64xf32, #tpu.memory_space<vmem>> -> memref<128x64xf32, #tpu.memory_space<vmem>>
      %dma_wait3A_364 = arith.constant 0 : i32
      %dma_wait3A_365 = tpu.memref_slice %arg5[%add3A_277, %dma_wait3A_364] : memref<200x128xi32, #tpu.memory_space<vmem>> -> memref<1x128xi32, #tpu.memory_space<vmem>>
      %dma_wait3A_366 = tpu.memref_squeeze %dma_wait3A_365 : memref<1x128xi32, #tpu.memory_space<vmem>> -> memref<128xi32, #tpu.memory_space<vmem>>
      %dma_wait3A_367 = arith.constant 0 : i32
      %dma_wait3A_368 = arith.constant 0 : i32
      %dma_wait3A_369 = tpu.memref_slice %arg3[%dma_wait3A_367, %dma_wait3A_368] : memref<19040x64xf32, #tpu.memory_space<hbm>> -> memref<19040x64xf32, #tpu.memory_space<hbm>>
      tpu.wait_indirect_dma semaphore(%arg8 : memref<!tpu.dma_semaphore, #tpu.memory_space<semaphore_mem>>) src(%dma_wait3A_369 : memref<19040x64xf32, #tpu.memory_space<hbm>>) dst(%dma_wait3A_363 : memref<128x64xf32, #tpu.memory_space<vmem>>)
      %dma_wait3A_370 = arith.constant 1 : i32
      %dma_wait3A_371 = arith.constant 0 : i32
      %dma_wait3A_372 = arith.constant 0 : i32
      %dma_wait3A_373 = tpu.memref_slice %arg6[%dma_wait3A_370, %dma_wait3A_371, %dma_wait3A_372] : memref<2x640x64xf32, #tpu.memory_space<vmem>> -> memref<1x640x64xf32, #tpu.memory_space<vmem>>
      %dma_wait3A_374 = tpu.memref_squeeze %dma_wait3A_373 : memref<1x640x64xf32, #tpu.memory_space<vmem>> -> memref<640x64xf32, #tpu.memory_space<vmem>>
      %dma_wait3A_375 = arith.constant 384 : i32
      %dma_wait3A_376 = arith.constant 0 : i32
      %dma_wait3A_377 = tpu.memref_slice %dma_wait3A_374[%dma_wait3A_375, %dma_wait3A_376] : memref<640x64xf32, #tpu.memory_space<vmem>> -> memref<128x64xf32, #tpu.memory_space<vmem>>
      %dma_wait3A_378 = arith.constant 0 : i32
      %dma_wait3A_379 = tpu.memref_slice %arg5[%add3A_295, %dma_wait3A_378] : memref<200x128xi32, #tpu.memory_space<vmem>> -> memref<1x128xi32, #tpu.memory_space<vmem>>
      %dma_wait3A_380 = tpu.memref_squeeze %dma_wait3A_379 : memref<1x128xi32, #tpu.memory_space<vmem>> -> memref<128xi32, #tpu.memory_space<vmem>>
      %dma_wait3A_381 = arith.constant 0 : i32
      %dma_wait3A_382 = arith.constant 0 : i32
      %dma_wait3A_383 = tpu.memref_slice %arg3[%dma_wait3A_381, %dma_wait3A_382] : memref<19040x64xf32, #tpu.memory_space<hbm>> -> memref<19040x64xf32, #tpu.memory_space<hbm>>
      tpu.wait_indirect_dma semaphore(%arg8 : memref<!tpu.dma_semaphore, #tpu.memory_space<semaphore_mem>>) src(%dma_wait3A_383 : memref<19040x64xf32, #tpu.memory_space<hbm>>) dst(%dma_wait3A_377 : memref<128x64xf32, #tpu.memory_space<vmem>>)
      %dma_wait3A_384 = arith.constant 1 : i32
      %dma_wait3A_385 = arith.constant 0 : i32
      %dma_wait3A_386 = arith.constant 0 : i32
      %dma_wait3A_387 = tpu.memref_slice %arg6[%dma_wait3A_384, %dma_wait3A_385, %dma_wait3A_386] : memref<2x640x64xf32, #tpu.memory_space<vmem>> -> memref<1x640x64xf32, #tpu.memory_space<vmem>>
      %dma_wait3A_388 = tpu.memref_squeeze %dma_wait3A_387 : memref<1x640x64xf32, #tpu.memory_space<vmem>> -> memref<640x64xf32, #tpu.memory_space<vmem>>
      %dma_wait3A_389 = arith.constant 512 : i32
      %dma_wait3A_390 = arith.constant 0 : i32
      %dma_wait3A_391 = tpu.memref_slice %dma_wait3A_388[%dma_wait3A_389, %dma_wait3A_390] : memref<640x64xf32, #tpu.memory_space<vmem>> -> memref<128x64xf32, #tpu.memory_space<vmem>>
      %dma_wait3A_392 = arith.constant 0 : i32
      %dma_wait3A_393 = tpu.memref_slice %arg5[%add3A_313, %dma_wait3A_392] : memref<200x128xi32, #tpu.memory_space<vmem>> -> memref<1x128xi32, #tpu.memory_space<vmem>>
      %dma_wait3A_394 = tpu.memref_squeeze %dma_wait3A_393 : memref<1x128xi32, #tpu.memory_space<vmem>> -> memref<128xi32, #tpu.memory_space<vmem>>
      %dma_wait3A_395 = arith.constant 0 : i32
      %dma_wait3A_396 = arith.constant 0 : i32
      %dma_wait3A_397 = tpu.memref_slice %arg3[%dma_wait3A_395, %dma_wait3A_396] : memref<19040x64xf32, #tpu.memory_space<hbm>> -> memref<19040x64xf32, #tpu.memory_space<hbm>>
      tpu.wait_indirect_dma semaphore(%arg8 : memref<!tpu.dma_semaphore, #tpu.memory_space<semaphore_mem>>) src(%dma_wait3A_397 : memref<19040x64xf32, #tpu.memory_space<hbm>>) dst(%dma_wait3A_391 : memref<128x64xf32, #tpu.memory_space<vmem>>)
      %dma_start3A_398 = arith.constant 1 : i32
      %dma_start3A_399 = arith.constant 0 : i32
      %dma_start3A_400 = arith.constant 0 : i32
      %dma_start3A_401 = tpu.memref_slice %arg6[%dma_start3A_398, %dma_start3A_399, %dma_start3A_400] : memref<2x640x64xf32, #tpu.memory_space<vmem>> -> memref<1x640x64xf32, #tpu.memory_space<vmem>>
      %dma_start3A_402 = tpu.memref_squeeze %dma_start3A_401 : memref<1x640x64xf32, #tpu.memory_space<vmem>> -> memref<640x64xf32, #tpu.memory_space<vmem>>
      %dma_start3A_403 = arith.constant 0 : i32
      %dma_start3A_404 = tpu.memref_slice %arg4[%mul3A_232, %dma_start3A_403] : memref<819200x128xf32, #tpu.memory_space<hbm>> -> memref<640x64xf32, #tpu.memory_space<hbm>>
      %dma_start3A_405 = arith.constant 0 : i32
      %dma_start3A_406 = tpu.memref_slice %arg4[%mul3A_232, %dma_start3A_405] : memref<819200x128xf32, #tpu.memory_space<hbm>> -> memref<640x64xf32, #tpu.memory_space<hbm>>
      %dma_start3A_407 = arith.constant 0 : i32
      %dma_start3A_408 = arith.constant 0 : i32
      %dma_start3A_409 = tpu.memref_slice %arg6[%dma_start3A_398, %dma_start3A_407, %dma_start3A_408] : memref<2x640x64xf32, #tpu.memory_space<vmem>> -> memref<1x640x64xf32, #tpu.memory_space<vmem>>
      %dma_start3A_410 = tpu.memref_squeeze %dma_start3A_409 : memref<1x640x64xf32, #tpu.memory_space<vmem>> -> memref<640x64xf32, #tpu.memory_space<vmem>>
      tpu.enqueue_dma source(%dma_start3A_410 : memref<640x64xf32, #tpu.memory_space<vmem>>) target(%dma_start3A_406 : memref<640x64xf32, #tpu.memory_space<hbm>>) target_semaphore(%arg10 : memref<!tpu.dma_semaphore, #tpu.memory_space<semaphore_mem>>)
    }
    %scan3A_6 = arith.constant 20 : i32
    %add3A_7 = arith.constant 190 : i32
    %add3A_8 = arith.addi %mul3A_2, %add3A_7 : i32
    %mul3A_9 = arith.constant 128 : i32
    %mul3A_10 = arith.muli %add3A_8, %mul3A_9 : i32
    %dma_wait3A = arith.constant 0 : i32
    %dma_wait3A_11 = arith.constant 0 : i32
    %dma_wait3A_12 = arith.constant 0 : i32
    %dma_wait3A_13 = tpu.memref_slice %arg6[%dma_wait3A, %dma_wait3A_11, %dma_wait3A_12] : memref<2x640x64xf32, #tpu.memory_space<vmem>> -> memref<1x640x64xf32, #tpu.memory_space<vmem>>
    %dma_wait3A_14 = tpu.memref_squeeze %dma_wait3A_13 : memref<1x640x64xf32, #tpu.memory_space<vmem>> -> memref<640x64xf32, #tpu.memory_space<vmem>>
    %dma_wait3A_15 = arith.constant 0 : i32
    %dma_wait3A_16 = tpu.memref_slice %arg4[%mul3A_10, %dma_wait3A_15] : memref<819200x128xf32, #tpu.memory_space<hbm>> -> memref<640x64xf32, #tpu.memory_space<hbm>>
    %dma_wait3A_17 = arith.constant 0 : i32
    %dma_wait3A_18 = tpu.memref_slice %arg4[%mul3A_10, %dma_wait3A_17] : memref<819200x128xf32, #tpu.memory_space<hbm>> -> memref<640x64xf32, #tpu.memory_space<hbm>>
    %dma_wait3A_19 = arith.constant 0 : i32
    %dma_wait3A_20 = arith.constant 0 : i32
    %dma_wait3A_21 = tpu.memref_slice %arg6[%dma_wait3A, %dma_wait3A_19, %dma_wait3A_20] : memref<2x640x64xf32, #tpu.memory_space<vmem>> -> memref<1x640x64xf32, #tpu.memory_space<vmem>>
    %dma_wait3A_22 = tpu.memref_squeeze %dma_wait3A_21 : memref<1x640x64xf32, #tpu.memory_space<vmem>> -> memref<640x64xf32, #tpu.memory_space<vmem>>
    tpu.wait_dma2 semaphore(%arg9 : memref<!tpu.dma_semaphore, #tpu.memory_space<semaphore_mem>>) src(%dma_wait3A_22 : memref<640x64xf32, #tpu.memory_space<vmem>>) dst(%dma_wait3A_18 : memref<640x64xf32, #tpu.memory_space<hbm>>)
    %add3A_23 = arith.constant 195 : i32
    %add3A_24 = arith.addi %mul3A_2, %add3A_23 : i32
    %mul3A_25 = arith.constant 128 : i32
    %mul3A_26 = arith.muli %add3A_24, %mul3A_25 : i32
    %dma_wait3A_27 = arith.constant 1 : i32
    %dma_wait3A_28 = arith.constant 0 : i32
    %dma_wait3A_29 = arith.constant 0 : i32
    %dma_wait3A_30 = tpu.memref_slice %arg6[%dma_wait3A_27, %dma_wait3A_28, %dma_wait3A_29] : memref<2x640x64xf32, #tpu.memory_space<vmem>> -> memref<1x640x64xf32, #tpu.memory_space<vmem>>
    %dma_wait3A_31 = tpu.memref_squeeze %dma_wait3A_30 : memref<1x640x64xf32, #tpu.memory_space<vmem>> -> memref<640x64xf32, #tpu.memory_space<vmem>>
    %dma_wait3A_32 = arith.constant 0 : i32
    %dma_wait3A_33 = tpu.memref_slice %arg4[%mul3A_26, %dma_wait3A_32] : memref<819200x128xf32, #tpu.memory_space<hbm>> -> memref<640x64xf32, #tpu.memory_space<hbm>>
    %dma_wait3A_34 = arith.constant 0 : i32
    %dma_wait3A_35 = tpu.memref_slice %arg4[%mul3A_26, %dma_wait3A_34] : memref<819200x128xf32, #tpu.memory_space<hbm>> -> memref<640x64xf32, #tpu.memory_space<hbm>>
    %dma_wait3A_36 = arith.constant 0 : i32
    %dma_wait3A_37 = arith.constant 0 : i32
    %dma_wait3A_38 = tpu.memref_slice %arg6[%dma_wait3A_27, %dma_wait3A_36, %dma_wait3A_37] : memref<2x640x64xf32, #tpu.memory_space<vmem>> -> memref<1x640x64xf32, #tpu.memory_space<vmem>>
    %dma_wait3A_39 = tpu.memref_squeeze %dma_wait3A_38 : memref<1x640x64xf32, #tpu.memory_space<vmem>> -> memref<640x64xf32, #tpu.memory_space<vmem>>
    tpu.wait_dma2 semaphore(%arg10 : memref<!tpu.dma_semaphore, #tpu.memory_space<semaphore_mem>>) src(%dma_wait3A_39 : memref<640x64xf32, #tpu.memory_space<vmem>>) dst(%dma_wait3A_35 : memref<640x64xf32, #tpu.memory_space<hbm>>)
    return
  }
}

module attributes {stable_mosaic.version = 14 : i64} {
  func.func @_table_body(%arg0: i32, %arg1: memref<128x32xf32, #tpu.memory_space<vmem>>, %arg2: memref<32x32xf32, #tpu.memory_space<vmem>>, %arg3: memref<8x32xf32, #tpu.memory_space<vmem>>, %arg4: memref<96x96xf32, #tpu.memory_space<vmem>>, %arg5: memref<1x96xf32, #tpu.memory_space<vmem>>, %arg6: memref<96x64xf32, #tpu.memory_space<vmem>>, %arg7: memref<1x64xf32, #tpu.memory_space<vmem>>, %arg8: memref<3808x64xf32, #tpu.memory_space<vmem>>) attributes {dimension_semantics = [#tpu.dimension_semantics<arbitrary>], iteration_bounds = array<i64: 5>, scalar_prefetch = 0 : i64, scratch_operands = 0 : i64, tpu.core_type = #tpu.core_type<tc>, window_params = [{pipeline_mode = #tpu.pipeline_mode<synchronous>, transform_indices = @transform_0, window_bounds = array<i64: 128, 32>}, {pipeline_mode = #tpu.pipeline_mode<synchronous>, transform_indices = @transform_1, window_bounds = array<i64: 32, 32>}, {pipeline_mode = #tpu.pipeline_mode<synchronous>, transform_indices = @transform_2, window_bounds = array<i64: 8, 32>}, {pipeline_mode = #tpu.pipeline_mode<synchronous>, transform_indices = @transform_3, window_bounds = array<i64: 96, 96>}, {pipeline_mode = #tpu.pipeline_mode<synchronous>, transform_indices = @transform_4, window_bounds = array<i64: 1, 96>}, {pipeline_mode = #tpu.pipeline_mode<synchronous>, transform_indices = @transform_5, window_bounds = array<i64: 96, 64>}, {pipeline_mode = #tpu.pipeline_mode<synchronous>, transform_indices = @transform_6, window_bounds = array<i64: 1, 64>}, {transform_indices = @transform_7, window_bounds = array<i64: 3808, 64>}]} {
    %mul3A = arith.constant 3808 : i32
    %mul3A_0 = arith.muli %arg0, %mul3A : i32
    %iota3A = tpu.iota {dimensions = array<i32: 0>} : vector<3808x1xi32>
    %add3A = vector.broadcast %mul3A_0 : i32 to vector<3808x1xi32>
    %add3A_1 = arith.addi %add3A, %iota3A : vector<3808x1xi32>
    %jit3A = arith.constant 160 : i32
    %div3A = vector.broadcast %jit3A : i32 to vector<3808x1xi32>
    %div3A_2 = arith.divsi %add3A_1, %div3A : vector<3808x1xi32>
    %sign3A = arith.constant 0 : i32
    %sign3A_3 = vector.broadcast %sign3A : i32 to vector<3808x1xi32>
    %sign3A_4 = arith.cmpi sgt, %add3A_1, %sign3A_3 : vector<3808x1xi32>
    %sign3A_5 = arith.extui %sign3A_4 : vector<3808x1xi1> to vector<3808x1xi32>
    %sign3A_6 = arith.constant 0 : i32
    %sign3A_7 = vector.broadcast %sign3A_6 : i32 to vector<3808x1xi32>
    %sign3A_8 = arith.cmpi slt, %add3A_1, %sign3A_7 : vector<3808x1xi32>
    %sign3A_9 = arith.extui %sign3A_8 : vector<3808x1xi1> to vector<3808x1xi32>
    %sign3A_10 = arith.subi %sign3A_5, %sign3A_9 : vector<3808x1xi32>
    %sign3A_11 = arith.constant 0 : i32
    %sign3A_12 = arith.cmpi sgt, %jit3A, %sign3A_11 : i32
    %sign3A_13 = arith.extui %sign3A_12 : i1 to i32
    %sign3A_14 = arith.constant 0 : i32
    %sign3A_15 = arith.cmpi slt, %jit3A, %sign3A_14 : i32
    %sign3A_16 = arith.extui %sign3A_15 : i1 to i32
    %sign3A_17 = arith.subi %sign3A_13, %sign3A_16 : i32
    %ne3A = vector.broadcast %sign3A_17 : i32 to vector<3808x1xi32>
    %ne3A_18 = arith.cmpi ne, %sign3A_10, %ne3A : vector<3808x1xi32>
    %rem3A = vector.broadcast %jit3A : i32 to vector<3808x1xi32>
    %rem3A_19 = arith.remsi %add3A_1, %rem3A : vector<3808x1xi32>
    %ne3A_20 = arith.constant 0 : i32
    %ne3A_21 = vector.broadcast %ne3A_20 : i32 to vector<3808x1xi32>
    %ne3A_22 = arith.cmpi ne, %rem3A_19, %ne3A_21 : vector<3808x1xi32>
    %and3A = arith.andi %ne3A_18, %ne3A_22 : vector<3808x1xi1>
    %sub3A = arith.constant 1 : i32
    %sub3A_23 = vector.broadcast %sub3A : i32 to vector<3808x1xi32>
    %sub3A_24 = arith.subi %div3A_2, %sub3A_23 : vector<3808x1xi32>
    %select_n3A = arith.select %and3A, %sub3A_24, %div3A_2 : vector<3808x1xi1>, vector<3808x1xi32>
    %jit3A_25 = arith.constant 8 : i32
    %div3A_26 = vector.broadcast %jit3A_25 : i32 to vector<3808x1xi32>
    %div3A_27 = arith.divsi %add3A_1, %div3A_26 : vector<3808x1xi32>
    %sign3A_28 = arith.constant 0 : i32
    %sign3A_29 = vector.broadcast %sign3A_28 : i32 to vector<3808x1xi32>
    %sign3A_30 = arith.cmpi sgt, %add3A_1, %sign3A_29 : vector<3808x1xi32>
    %sign3A_31 = arith.extui %sign3A_30 : vector<3808x1xi1> to vector<3808x1xi32>
    %sign3A_32 = arith.constant 0 : i32
    %sign3A_33 = vector.broadcast %sign3A_32 : i32 to vector<3808x1xi32>
    %sign3A_34 = arith.cmpi slt, %add3A_1, %sign3A_33 : vector<3808x1xi32>
    %sign3A_35 = arith.extui %sign3A_34 : vector<3808x1xi1> to vector<3808x1xi32>
    %sign3A_36 = arith.subi %sign3A_31, %sign3A_35 : vector<3808x1xi32>
    %sign3A_37 = arith.constant 0 : i32
    %sign3A_38 = arith.cmpi sgt, %jit3A_25, %sign3A_37 : i32
    %sign3A_39 = arith.extui %sign3A_38 : i1 to i32
    %sign3A_40 = arith.constant 0 : i32
    %sign3A_41 = arith.cmpi slt, %jit3A_25, %sign3A_40 : i32
    %sign3A_42 = arith.extui %sign3A_41 : i1 to i32
    %sign3A_43 = arith.subi %sign3A_39, %sign3A_42 : i32
    %ne3A_44 = vector.broadcast %sign3A_43 : i32 to vector<3808x1xi32>
    %ne3A_45 = arith.cmpi ne, %sign3A_36, %ne3A_44 : vector<3808x1xi32>
    %rem3A_46 = vector.broadcast %jit3A_25 : i32 to vector<3808x1xi32>
    %rem3A_47 = arith.remsi %add3A_1, %rem3A_46 : vector<3808x1xi32>
    %ne3A_48 = arith.constant 0 : i32
    %ne3A_49 = vector.broadcast %ne3A_48 : i32 to vector<3808x1xi32>
    %ne3A_50 = arith.cmpi ne, %rem3A_47, %ne3A_49 : vector<3808x1xi32>
    %and3A_51 = arith.andi %ne3A_45, %ne3A_50 : vector<3808x1xi1>
    %sub3A_52 = arith.constant 1 : i32
    %sub3A_53 = vector.broadcast %sub3A_52 : i32 to vector<3808x1xi32>
    %sub3A_54 = arith.subi %div3A_27, %sub3A_53 : vector<3808x1xi32>
    %select_n3A_55 = arith.select %and3A_51, %sub3A_54, %div3A_27 : vector<3808x1xi1>, vector<3808x1xi32>
    %jit3A_56 = arith.constant 20 : i32
    %eq3A = arith.constant 0 : i32
    %eq3A_57 = arith.cmpi eq, %jit3A_56, %eq3A : i32
    %jit3A_58 = arith.constant 1 : i32
    %select_n3A_59 = arith.select %eq3A_57, %jit3A_58, %jit3A_56 : i32
    %rem3A_60 = vector.broadcast %select_n3A_59 : i32 to vector<3808x1xi32>
    %rem3A_61 = arith.remsi %select_n3A_55, %rem3A_60 : vector<3808x1xi32>
    %ne3A_62 = arith.constant 0 : i32
    %ne3A_63 = vector.broadcast %ne3A_62 : i32 to vector<3808x1xi32>
    %ne3A_64 = arith.cmpi ne, %rem3A_61, %ne3A_63 : vector<3808x1xi32>
    %lt3A = arith.constant 0 : i32
    %lt3A_65 = vector.broadcast %lt3A : i32 to vector<3808x1xi32>
    %lt3A_66 = arith.cmpi slt, %rem3A_61, %lt3A_65 : vector<3808x1xi32>
    %lt3A_67 = arith.constant 0 : i32
    %lt3A_68 = arith.cmpi slt, %select_n3A_59, %lt3A_67 : i32
    %ne3A_69 = vector.broadcast %lt3A_68 : i1 to vector<3808x1xi1>
    %ne3A_70 = vector.broadcast %ne3A_69 : vector<3808x1xi1> to vector<3808x1xi1>
    %ne3A_71 = arith.xori %lt3A_66, %ne3A_70 : vector<3808x1xi1>
    %and3A_72 = arith.andi %ne3A_71, %ne3A_64 : vector<3808x1xi1>
    %add3A_73 = vector.broadcast %select_n3A_59 : i32 to vector<3808x1xi32>
    %add3A_74 = arith.addi %rem3A_61, %add3A_73 : vector<3808x1xi32>
    %select_n3A_75 = arith.select %and3A_72, %add3A_74, %rem3A_61 : vector<3808x1xi1>, vector<3808x1xi32>
    %jit3A_76 = arith.constant 8 : i32
    %eq3A_77 = arith.constant 0 : i32
    %eq3A_78 = arith.cmpi eq, %jit3A_76, %eq3A_77 : i32
    %jit3A_79 = arith.constant 1 : i32
    %select_n3A_80 = arith.select %eq3A_78, %jit3A_79, %jit3A_76 : i32
    %rem3A_81 = vector.broadcast %select_n3A_80 : i32 to vector<3808x1xi32>
    %rem3A_82 = arith.remsi %add3A_1, %rem3A_81 : vector<3808x1xi32>
    %ne3A_83 = arith.constant 0 : i32
    %ne3A_84 = vector.broadcast %ne3A_83 : i32 to vector<3808x1xi32>
    %ne3A_85 = arith.cmpi ne, %rem3A_82, %ne3A_84 : vector<3808x1xi32>
    %lt3A_86 = arith.constant 0 : i32
    %lt3A_87 = vector.broadcast %lt3A_86 : i32 to vector<3808x1xi32>
    %lt3A_88 = arith.cmpi slt, %rem3A_82, %lt3A_87 : vector<3808x1xi32>
    %lt3A_89 = arith.constant 0 : i32
    %lt3A_90 = arith.cmpi slt, %select_n3A_80, %lt3A_89 : i32
    %ne3A_91 = vector.broadcast %lt3A_90 : i1 to vector<3808x1xi1>
    %ne3A_92 = vector.broadcast %ne3A_91 : vector<3808x1xi1> to vector<3808x1xi1>
    %ne3A_93 = arith.xori %lt3A_88, %ne3A_92 : vector<3808x1xi1>
    %and3A_94 = arith.andi %ne3A_93, %ne3A_85 : vector<3808x1xi1>
    %add3A_95 = vector.broadcast %select_n3A_80 : i32 to vector<3808x1xi32>
    %add3A_96 = arith.addi %rem3A_82, %add3A_95 : vector<3808x1xi32>
    %select_n3A_97 = arith.select %and3A_94, %add3A_96, %rem3A_82 : vector<3808x1xi1>, vector<3808x1xi32>
    %get3A = arith.constant 0 : index
    %get3A_98 = arith.constant 0 : index
    %get3A_99 = vector.load %arg4[%get3A, %get3A_98] : memref<96x96xf32, #tpu.memory_space<vmem>>, vector<96x96xf32>
    %get3A_100 = arith.constant 0 : index
    %get3A_101 = arith.constant 0 : index
    %get3A_102 = vector.load %arg1[%get3A_100, %get3A_101] : memref<128x32xf32, #tpu.memory_space<vmem>>, vector<128x32xf32>
    %slice3A = vector.extract_strided_slice %get3A_99 {offsets = [0, 0], sizes = [32, 96], strides = [1, 1]} : vector<96x96xf32> to vector<32x96xf32>
    %dot_general3A = arith.constant dense<0.000000e+00> : vector<128x96xf32>
    %dot_general3A_103 = tpu.matmul %get3A_102, %slice3A, %dot_general3A {dimension_numbers = #tpu.dot_dimension_numbers<[1], [0], [0], [1], [0, 0, 1, 1], [], []>, transpose_lhs_hint = false} : vector<128x32xf32>, vector<32x96xf32>, vector<128x96xf32> -> vector<128x96xf32>
    %get3A_104 = arith.constant 0 : index
    %get3A_105 = arith.constant 0 : index
    %get3A_106 = vector.load %arg2[%get3A_104, %get3A_105] : memref<32x32xf32, #tpu.memory_space<vmem>>, vector<32x32xf32>
    %slice3A_107 = vector.extract_strided_slice %get3A_99 {offsets = [32, 0], sizes = [32, 96], strides = [1, 1]} : vector<96x96xf32> to vector<32x96xf32>
    %dot_general3A_108 = arith.constant dense<0.000000e+00> : vector<32x96xf32>
    %dot_general3A_109 = tpu.matmul %get3A_106, %slice3A_107, %dot_general3A_108 {dimension_numbers = #tpu.dot_dimension_numbers<[1], [0], [0], [1], [0, 0, 1, 1], [], []>, transpose_lhs_hint = false} : vector<32x32xf32>, vector<32x96xf32>, vector<32x96xf32> -> vector<32x96xf32>
    %get3A_110 = arith.constant 0 : index
    %get3A_111 = arith.constant 0 : index
    %get3A_112 = vector.load %arg3[%get3A_110, %get3A_111] : memref<8x32xf32, #tpu.memory_space<vmem>>, vector<8x32xf32>
    %slice3A_113 = vector.extract_strided_slice %get3A_99 {offsets = [64, 0], sizes = [32, 96], strides = [1, 1]} : vector<96x96xf32> to vector<32x96xf32>
    %dot_general3A_114 = arith.constant dense<0.000000e+00> : vector<8x96xf32>
    %dot_general3A_115 = tpu.matmul %get3A_112, %slice3A_113, %dot_general3A_114 {dimension_numbers = #tpu.dot_dimension_numbers<[1], [0], [0], [1], [0, 0, 1, 1], [], []>, transpose_lhs_hint = false} : vector<8x32xf32>, vector<32x96xf32>, vector<8x96xf32> -> vector<8x96xf32>
    %iota3A_116 = tpu.iota {dimensions = array<i32: 1>} : vector<3808x128xi32>
    %eq3A_117 = vector.broadcast %select_n3A : vector<3808x1xi32> to vector<3808x128xi32>
    %eq3A_118 = arith.cmpi eq, %iota3A_116, %eq3A_117 : vector<3808x128xi32>
    %convert_element_type3A = arith.extui %eq3A_118 : vector<3808x128xi1> to vector<3808x128xi32>
    %convert_element_type3A_119 = arith.sitofp %convert_element_type3A : vector<3808x128xi32> to vector<3808x128xf32>
    %iota3A_120 = tpu.iota {dimensions = array<i32: 1>} : vector<3808x32xi32>
    %eq3A_121 = vector.broadcast %select_n3A_75 : vector<3808x1xi32> to vector<3808x32xi32>
    %eq3A_122 = arith.cmpi eq, %iota3A_120, %eq3A_121 : vector<3808x32xi32>
    %convert_element_type3A_123 = arith.extui %eq3A_122 : vector<3808x32xi1> to vector<3808x32xi32>
    %convert_element_type3A_124 = arith.sitofp %convert_element_type3A_123 : vector<3808x32xi32> to vector<3808x32xf32>
    %iota3A_125 = tpu.iota {dimensions = array<i32: 1>} : vector<3808x8xi32>
    %eq3A_126 = vector.broadcast %select_n3A_97 : vector<3808x1xi32> to vector<3808x8xi32>
    %eq3A_127 = arith.cmpi eq, %iota3A_125, %eq3A_126 : vector<3808x8xi32>
    %convert_element_type3A_128 = arith.extui %eq3A_127 : vector<3808x8xi1> to vector<3808x8xi32>
    %convert_element_type3A_129 = arith.sitofp %convert_element_type3A_128 : vector<3808x8xi32> to vector<3808x8xf32>
    %dot_general3A_130 = arith.constant dense<0.000000e+00> : vector<3808x96xf32>
    %dot_general3A_131 = tpu.matmul %convert_element_type3A_119, %dot_general3A_103, %dot_general3A_130 {dimension_numbers = #tpu.dot_dimension_numbers<[1], [0], [0], [1], [0, 0, 1, 1], [], []>, transpose_lhs_hint = false} : vector<3808x128xf32>, vector<128x96xf32>, vector<3808x96xf32> -> vector<3808x96xf32>
    %dot_general3A_132 = arith.constant dense<0.000000e+00> : vector<3808x96xf32>
    %dot_general3A_133 = tpu.matmul %convert_element_type3A_124, %dot_general3A_109, %dot_general3A_132 {dimension_numbers = #tpu.dot_dimension_numbers<[1], [0], [0], [1], [0, 0, 1, 1], [], []>, transpose_lhs_hint = false} : vector<3808x32xf32>, vector<32x96xf32>, vector<3808x96xf32> -> vector<3808x96xf32>
    %add3A_134 = arith.addf %dot_general3A_131, %dot_general3A_133 : vector<3808x96xf32>
    %dot_general3A_135 = arith.constant dense<0.000000e+00> : vector<3808x96xf32>
    %dot_general3A_136 = tpu.matmul %convert_element_type3A_129, %dot_general3A_115, %dot_general3A_135 {dimension_numbers = #tpu.dot_dimension_numbers<[1], [0], [0], [1], [0, 0, 1, 1], [], []>, transpose_lhs_hint = false} : vector<3808x8xf32>, vector<8x96xf32>, vector<3808x96xf32> -> vector<3808x96xf32>
    %add3A_137 = arith.addf %add3A_134, %dot_general3A_136 : vector<3808x96xf32>
    %get3A_138 = arith.constant 0 : index
    %get3A_139 = arith.constant 0 : index
    %get3A_140 = vector.load %arg5[%get3A_138, %get3A_139] : memref<1x96xf32, #tpu.memory_space<vmem>>, vector<1x96xf32>
    %add3A_141 = vector.broadcast %get3A_140 : vector<1x96xf32> to vector<3808x96xf32>
    %add3A_142 = arith.addf %add3A_137, %add3A_141 : vector<3808x96xf32>
    %max3A = arith.constant 0.000000e+00 : f32
    %max3A_143 = vector.broadcast %max3A : f32 to vector<3808x96xf32>
    %max3A_144 = arith.maximumf %add3A_142, %max3A_143 : vector<3808x96xf32>
    %get3A_145 = arith.constant 0 : index
    %get3A_146 = arith.constant 0 : index
    %get3A_147 = vector.load %arg6[%get3A_145, %get3A_146] : memref<96x64xf32, #tpu.memory_space<vmem>>, vector<96x64xf32>
    %dot_general3A_148 = arith.constant dense<0.000000e+00> : vector<3808x64xf32>
    %dot_general3A_149 = tpu.matmul %max3A_144, %get3A_147, %dot_general3A_148 {dimension_numbers = #tpu.dot_dimension_numbers<[1], [0], [0], [1], [0, 0, 1, 1], [], []>, transpose_lhs_hint = false} : vector<3808x96xf32>, vector<96x64xf32>, vector<3808x64xf32> -> vector<3808x64xf32>
    %get3A_150 = arith.constant 0 : index
    %get3A_151 = arith.constant 0 : index
    %get3A_152 = vector.load %arg7[%get3A_150, %get3A_151] : memref<1x64xf32, #tpu.memory_space<vmem>>, vector<1x64xf32>
    %add3A_153 = vector.broadcast %get3A_152 : vector<1x64xf32> to vector<3808x64xf32>
    %add3A_154 = arith.addf %dot_general3A_149, %add3A_153 : vector<3808x64xf32>
    %swap3A = arith.constant 0 : index
    %swap3A_155 = arith.constant 0 : index
    %swap3A_156 = vector.load %arg8[%swap3A, %swap3A_155] : memref<3808x64xf32, #tpu.memory_space<vmem>>, vector<3808x64xf32>
    tpu.vector_store %arg8[%swap3A, %swap3A_155], %add3A_154 {strides = array<i32>} : memref<3808x64xf32, #tpu.memory_space<vmem>>, vector<3808x64xf32>,
    return
  }
  func.func @transform_0(%arg0: i32) -> (i32, i32) {
    %c0_i32 = arith.constant 0 : i32
    %c0_i32_0 = arith.constant 0 : i32
    %c0_i32_1 = arith.constant 0 : i32
    return %c0_i32, %c0_i32_0 : i32, i32
  }
  func.func @transform_1(%arg0: i32) -> (i32, i32) {
    %c0_i32 = arith.constant 0 : i32
    %c0_i32_0 = arith.constant 0 : i32
    %c0_i32_1 = arith.constant 0 : i32
    return %c0_i32, %c0_i32_0 : i32, i32
  }
  func.func @transform_2(%arg0: i32) -> (i32, i32) {
    %c0_i32 = arith.constant 0 : i32
    %c0_i32_0 = arith.constant 0 : i32
    %c0_i32_1 = arith.constant 0 : i32
    return %c0_i32, %c0_i32_0 : i32, i32
  }
  func.func @transform_3(%arg0: i32) -> (i32, i32) {
    %c0_i32 = arith.constant 0 : i32
    %c0_i32_0 = arith.constant 0 : i32
    %c0_i32_1 = arith.constant 0 : i32
    return %c0_i32, %c0_i32_0 : i32, i32
  }
  func.func @transform_4(%arg0: i32) -> (i32, i32) {
    %c0_i32 = arith.constant 0 : i32
    %c0_i32_0 = arith.constant 0 : i32
    %c0_i32_1 = arith.constant 0 : i32
    return %c0_i32, %c0_i32_0 : i32, i32
  }
  func.func @transform_5(%arg0: i32) -> (i32, i32) {
    %c0_i32 = arith.constant 0 : i32
    %c0_i32_0 = arith.constant 0 : i32
    %c0_i32_1 = arith.constant 0 : i32
    return %c0_i32, %c0_i32_0 : i32, i32
  }
  func.func @transform_6(%arg0: i32) -> (i32, i32) {
    %c0_i32 = arith.constant 0 : i32
    %c0_i32_0 = arith.constant 0 : i32
    %c0_i32_1 = arith.constant 0 : i32
    return %c0_i32, %c0_i32_0 : i32, i32
  }
  func.func @transform_7(%arg0: i32) -> (i32, i32) {
    %c0_i32 = arith.constant 0 : i32
    %c0_i32_0 = arith.constant 0 : i32
    return %arg0, %c0_i32 : i32, i32
  }
}

module attributes {stable_mosaic.version = 14 : i64} {
  func.func @_ci_body(%arg0: memref<6400x128xi32, #tpu.memory_space<vmem>>, %arg1: memref<6400x128xi32, #tpu.memory_space<vmem>>, %arg2: memref<6400x128xi32, #tpu.memory_space<vmem>>, %arg3: memref<6400x128xi32, #tpu.memory_space<vmem>>) attributes {dimension_semantics = [], scalar_prefetch = 0 : i64, scratch_operands = 0 : i64, tpu.core_type = #tpu.core_type<tc>} {
    %get3A = arith.constant 0 : index
    %get3A_0 = arith.constant 0 : index
    %get3A_1 = vector.load %arg0[%get3A, %get3A_0] : memref<6400x128xi32, #tpu.memory_space<vmem>>, vector<6400x128xi32>
    %jit3A = arith.constant 0 : i32
    %jit3A_2 = arith.constant 118 : i32
    %max3A = vector.broadcast %jit3A : i32 to vector<6400x128xi32>
    %max3A_3 = arith.maxsi %max3A, %get3A_1 : vector<6400x128xi32>
    %min3A = vector.broadcast %jit3A_2 : i32 to vector<6400x128xi32>
    %min3A_4 = arith.minsi %min3A, %max3A_3 : vector<6400x128xi32>
    %get3A_5 = arith.constant 0 : index
    %get3A_6 = arith.constant 0 : index
    %get3A_7 = vector.load %arg1[%get3A_5, %get3A_6] : memref<6400x128xi32, #tpu.memory_space<vmem>>, vector<6400x128xi32>
    %jit3A_8 = arith.constant 0 : i32
    %jit3A_9 = arith.constant 19 : i32
    %max3A_10 = vector.broadcast %jit3A_8 : i32 to vector<6400x128xi32>
    %max3A_11 = arith.maxsi %max3A_10, %get3A_7 : vector<6400x128xi32>
    %min3A_12 = vector.broadcast %jit3A_9 : i32 to vector<6400x128xi32>
    %min3A_13 = arith.minsi %min3A_12, %max3A_11 : vector<6400x128xi32>
    %get3A_14 = arith.constant 0 : index
    %get3A_15 = arith.constant 0 : index
    %get3A_16 = vector.load %arg2[%get3A_14, %get3A_15] : memref<6400x128xi32, #tpu.memory_space<vmem>>, vector<6400x128xi32>
    %jit3A_17 = arith.constant 0 : i32
    %jit3A_18 = arith.constant 7 : i32
    %max3A_19 = vector.broadcast %jit3A_17 : i32 to vector<6400x128xi32>
    %max3A_20 = arith.maxsi %max3A_19, %get3A_16 : vector<6400x128xi32>
    %min3A_21 = vector.broadcast %jit3A_18 : i32 to vector<6400x128xi32>
    %min3A_22 = arith.minsi %min3A_21, %max3A_20 : vector<6400x128xi32>
    %mul3A = arith.constant 160 : i32
    %mul3A_23 = vector.broadcast %mul3A : i32 to vector<6400x128xi32>
    %mul3A_24 = arith.muli %min3A_4, %mul3A_23 : vector<6400x128xi32>
    %mul3A_25 = arith.constant 8 : i32
    %mul3A_26 = vector.broadcast %mul3A_25 : i32 to vector<6400x128xi32>
    %mul3A_27 = arith.muli %min3A_13, %mul3A_26 : vector<6400x128xi32>
    %add3A = arith.addi %mul3A_24, %mul3A_27 : vector<6400x128xi32>
    %add3A_28 = arith.addi %add3A, %min3A_22 : vector<6400x128xi32>
    %swap3A = arith.constant 0 : index
    %swap3A_29 = arith.constant 0 : index
    %swap3A_30 = vector.load %arg3[%swap3A, %swap3A_29] : memref<6400x128xi32, #tpu.memory_space<vmem>>, vector<6400x128xi32>
    tpu.vector_store %arg3[%swap3A, %swap3A_29], %add3A_28 {strides = array<i32>} : memref<6400x128xi32, #tpu.memory_space<vmem>>, vector<6400x128xi32>,
    return
  }
}

module attributes {stable_mosaic.version = 14 : i64} {
  func.func @_transpose_body(%arg0: i32, %arg1: i32, %arg2: memref<4096x128xf32, #tpu.memory_space<vmem>>, %arg3: memref<1x64x4096xf32, #tpu.memory_space<vmem>>) attributes {dimension_semantics = [#tpu.dimension_semantics<arbitrary>, #tpu.dimension_semantics<arbitrary>], iteration_bounds = array<i64: 50, 4>, scalar_prefetch = 0 : i64, scratch_operands = 0 : i64, tpu.core_type = #tpu.core_type<tc>, window_params = [{transform_indices = @transform_0, window_bounds = array<i64: 4096, 128>}, {transform_indices = @transform_1, window_bounds = array<i64: 1, 64, 4096>}]} {
    %get3A = arith.constant 0 : index
    %get3A_0 = arith.constant 0 : index
    %get3A_1 = vector.load %arg2[%get3A, %get3A_0] : memref<4096x128xf32, #tpu.memory_space<vmem>>, vector<4096x128xf32>
    %slice3A = vector.extract_strided_slice %get3A_1 {offsets = [0, 0], sizes = [4096, 64], strides = [1, 1]} : vector<4096x128xf32> to vector<4096x64xf32>
    %transpose3A = tpu.transpose %slice3A, [1, 0] : vector<4096x64xf32> -> vector<64x4096xf32>
    %broadcast_in_dim3A = vector.shape_cast %transpose3A : vector<64x4096xf32> to vector<1x64x4096xf32>
    %swap3A = arith.constant 0 : index
    %swap3A_2 = arith.constant 0 : index
    %swap3A_3 = arith.constant 0 : index
    %swap3A_4 = vector.load %arg3[%swap3A, %swap3A_2, %swap3A_3] : memref<1x64x4096xf32, #tpu.memory_space<vmem>>, vector<1x64x4096xf32>
    tpu.vector_store %arg3[%swap3A, %swap3A_2, %swap3A_3], %broadcast_in_dim3A {strides = array<i32>} : memref<1x64x4096xf32, #tpu.memory_space<vmem>>, vector<1x64x4096xf32>,
    return
  }
  func.func @transform_0(%arg0: i32, %arg1: i32) -> (i32, i32) {
    %mul3A = arith.constant 4 : i32
    %mul3A_0 = arith.muli %arg0, %mul3A : i32
    %add3A = arith.addi %mul3A_0, %arg1 : i32
    %c0_i32 = arith.constant 0 : i32
    %c0_i32_1 = arith.constant 0 : i32
    return %add3A, %c0_i32 : i32, i32
  }
  func.func @transform_1(%arg0: i32, %arg1: i32) -> (i32, i32, i32) {
    %c0_i32 = arith.constant 0 : i32
    %c0_i32_0 = arith.constant 0 : i32
    return %arg0, %c0_i32, %arg1 : i32, i32, i32
  }
}

</mosaic_0001>

<sc_bundles>
// kernel: kernel.6.cloned.1.call-start
scs
__scs_entry_jumppad:
0x0: {  	(pc) =	sbr.rel $0x88, $3  }
0x1: {  	(tag) =	ssettag $0x0;
	lr =	simm.s32 $0x1  }
0x2: {  	[smem:$0x3F97] =	sst lr;
	_ =	strace $0xD0000000  }
0x3: {  	_ = 	snop  }
0x4: {  	_ = 	snop  }
0x5: {  	_ = 	snop  }
0x6: {  	_ = 	snop  }
0x7: {  	_ = 	snop  }
__scs_overlays_trampoline_lowered:
0x8: {  	[smem:$0x3FA6] =	sst s0  }
0x9: {  	[smem:$0x3FA7] =	sst s1  }
0xa: {  	[smem:$0x3FA8] =	sst s2  }
0xb: {  	[smem:$0x3FA9] =	sst s3  }
0xc: {  	[smem:$0x3FAA] =	sst s4  }
0xd: {  	[smem:$0x3FAB] =	sst s5  }
0xe: {  	[smem:$0x3FAC] =	sst s6  }
0xf: {  	[smem:$0x3FAD] =	sst s7  }
0x10: {  	[smem:$0x3FAE] =	sst s8  }
0x11: {  	[smem:$0x3FAF] =	sst s9;
	s0 =	simm.s32 @!p0 $0x0  }
0x12: {  	s1 =	sld [smem:$0x3F95];
	s0 =	simm.s32 @p0 $0x1  }
0x13: {  	[smem:$0x3FB0] =	sst s0;
	s0 =	simm.s32 @!p1 $0x0  }
0x14: {  	s2 =	sld [smem:$0x3F94];
	s0 =	simm.s32 @p1 $0x1  }
0x15: {  	[smem:$0x3FB1] =	sst s0;
	s0 =	simm.s32 @!p2 $0x0  }
0x16: {  	s3 =	sld [smem:$0x3FDB];
	s0 =	simm.s32 @p2 $0x1  }
0x17: {  	s4 =	simm.s32 $0x1BF5;
	[smem:$0x3FB3] =	sst s0  }
0x18: {  	s0 =	sld [smem:$0x3F96];
	_ =	swait.ge [sflag:s4], $0x0  }
0x19: {  	s7 =	sld [smem:$0x3F97]  }
0x1a: {  	s8 =	sadd.s32 $0xFFFFE003, lr  }
0x1b: {  	s9 =	sadd.s32 $0xFFFFFEF7, lr;
	s5 =	simm.s32 $0xFFFFFFFF;
	p2 =	slt.u32 s8, $0xFFFFF086  }
0x1c: {  	p1 =	slt.u32 s9, $0xF7A;
	s5 =	simm.s32 @!p2 $0x0  }
0x1d: {  	s5 =	simm.s32 @p1 $0x1;
	p0 =	seq.s32 s7, s2  }
0x1e: {  	s7 =	smul.u32 @!p0 $0xF7A, s2;
	p2 =	seq.s32 @!p0 s5, $0x0  }
0x1f: {  	s9 =	smul.u32 $0xF7A, s1;
	s8 =	simm.s32 @!p0 $0x1BF5;
	p2 =	por !p2, p0  }
0x20: {  	[sflag:s8] =	ssyncset.s32 @!p0 $0xFFFFF086;
	s6 =	sadd.s32 @!p0 s3, s7;
	s7 =	simm.s32 @!p0 $0x108  }
0x21: {  	s3 =	sadd.s32 s3, s9;
	s6 =	sadd.s32 @!p0 $0x88, s6;
	s7 =	simm.s32 @p2 $0x1082  }
0x22: {  	[simem:s7], [sflag:s8] =	dma.local @!p0 [hbm:s6], $0xF7A  }
0x23: {  	s9 =	sor.u32 $0xD0000000, s2;
	s6 =	simm.s32 $0x108;
	_ =	swait.ge @!p0 [sflag:s8], $0x0  }
0x24: {  	s3 =	sadd.s32 $0x88, s3;
	s6 =	simm.s32 @!p1 $0x1082;
	[sflag:s4] =	ssyncset.s32 $0xFFFFF086  }
0x25: {  	[simem:s6], [sflag:s4] =	dma.local [hbm:s3], $0xF7A  }
0x26: {  	[smem:$0x3F97] =	sst s1;
	(tag) =	ssettag s2;
	_ =	strace s9  }
0x27: {  	s1 =	sld [smem:$0x3FA7]  }
0x28: {  	s2 =	sld [smem:$0x3FA8]  }
0x29: {  	s4 =	sld [smem:$0x3FAA]  }
0x2a: {  	p0 =	seq.s32 s5, $0x0;
	s5 =	sld [smem:$0x3FAB]  }
0x2b: {  	s6 =	sld [smem:$0x3FAC]  }
0x2c: {  	s7 =	sld [smem:$0x3FAD]  }
0x2d: {  	s3 =	simm.s32 $0x108;
	s8 =	sld [smem:$0x3FAE]  }
0x2e: {  	s3 =	simm.s32 @!p0 $0x1082;
	s9 =	sld [smem:$0x3FAF]  }
0x2f: {  	lr =	sadd.s32 s0, s3;
	s0 =	sld [smem:$0x3FA6]  }
0x30: {  	s3 =	sld [smem:$0x3FA9]  }
0x31: {  	[smem:$0x3FB2] =	sst s10  }
0x32: {  	s10 =	sld [smem:$0x3FB0];
	_ =	sdelay $0x3  }
0x33: {  	p0 =	seq.s32 s10, $0x1;
	s10 =	sld [smem:$0x3FB2];
	_ =	sdelay $0x3  }
0x34: {  	[smem:$0x3FB2] =	sst s10  }
0x35: {  	s10 =	sld [smem:$0x3FB1];
	_ =	sdelay $0x3  }
0x36: {  	p1 =	seq.s32 s10, $0x1;
	s10 =	sld [smem:$0x3FB2];
	_ =	sdelay $0x3  }
0x37: {  	[smem:$0x3FB2] =	sst s10  }
0x38: {  	s10 =	sld [smem:$0x3FB3]  }
0x39: {  	_ = 	snop;
	(pc) =	sbr.ind lr, $3  }
0x3a: {  	_ = 	snop  }
0x3b: {  	_ = 	snop  }
0x3c: {  	p2 =	seq.s32 s10, $0x1;
	s10 =	sld [smem:$0x3FB2]  }
0x3d: {  	_ =	shalt  }
0x3e: {  	_ =	shalt  }
0x3f: {  	_ =	shalt  }
0x40: {  	_ =	shalt  }
0x41: {  	_ =	shalt  }
0x42: {  	_ =	shalt  }
0x43: {  	_ =	shalt  }
0x44: {  	_ =	shalt  }
0x45: {  	_ =	shalt  }
0x46: {  	_ =	shalt  }
0x47: {  	_ =	shalt  }
0x48: {  	_ =	shalt  }
0x49: {  	_ =	shalt  }
0x4a: {  	_ =	shalt  }
0x4b: {  	_ =	shalt  }
0x4c: {  	_ =	shalt  }
0x4d: {  	_ =	shalt  }
0x4e: {  	_ =	shalt  }
0x4f: {  	_ =	shalt  }
0x50: {  	_ =	shalt  }
0x51: {  	_ =	shalt  }
0x52: {  	_ =	shalt  }
0x53: {  	_ =	shalt  }
0x54: {  	_ =	shalt  }
0x55: {  	_ =	shalt  }
0x56: {  	_ =	shalt  }
0x57: {  	_ =	shalt  }
0x58: {  	_ =	shalt  }
0x59: {  	_ =	shalt  }
0x5a: {  	_ =	shalt  }
0x5b: {  	_ =	shalt  }
0x5c: {  	_ =	shalt  }
0x5d: {  	_ =	shalt  }
0x5e: {  	_ =	shalt  }
0x5f: {  	_ =	shalt  }
0x60: {  	_ =	shalt  }
0x61: {  	_ =	shalt  }
0x62: {  	_ =	shalt  }
0x63: {  	_ =	shalt  }
0x64: {  	_ =	shalt  }
0x65: {  	_ =	shalt  }
0x66: {  	_ =	shalt  }
0x67: {  	_ =	shalt  }
0x68: {  	_ =	shalt  }
0x69: {  	_ =	shalt  }
0x6a: {  	_ =	shalt  }
0x6b: {  	_ =	shalt  }
0x6c: {  	_ =	shalt  }
0x6d: {  	_ =	shalt  }
0x6e: {  	_ =	shalt  }
0x6f: {  	_ =	shalt  }
0x70: {  	_ =	shalt  }
0x71: {  	_ =	shalt  }
0x72: {  	_ =	shalt  }
0x73: {  	_ =	shalt  }
0x74: {  	_ =	shalt  }
0x75: {  	_ =	shalt  }
0x76: {  	_ =	shalt  }
0x77: {  	_ =	shalt  }
0x78: {  	_ =	shalt  }
0x79: {  	_ =	shalt  }
0x7a: {  	_ =	shalt  }
0x7b: {  	_ =	shalt  }
0x7c: {  	_ =	shalt  }
0x7d: {  	_ =	shalt  }
0x7e: {  	_ =	shalt  }
0x7f: {  	_ =	shalt  }
0x80: {  	_ =	shalt  }
0x81: {  	_ =	shalt  }
0x82: {  	_ =	shalt  }
0x83: {  	_ =	shalt  }
0x84: {  	_ =	shalt  }
0x85: {  	_ =	shalt  }
0x86: {  	_ =	shalt  }
0x87: {  	_ =	shalt  }
.Lfunc_end0:
.L_simem_size_0:
called_computation_lowered:
.L_overlay_start_0:
0x88: {  	s2 =	sld [smem:$0x3FD9]  }
0x89: {  	s3 =	sld [smem:$0x3FFE];
	_ =	sdelay $0x1  }
0x8a: {  	s1 =	srdreg.scid  }
0x8b: {  	s0 =	sand.u32 $0x1, s1  }
0x8c: {  	s17 =	sshll.u32 s0, $0xA;
	s2 =	sadd.s32 s3, s2  }
0x8d: {  	s2 =	sadd.s32 s2, s17  }
0x8e: {  	[smem:$0x3FBE] =	sst s2  }
0x8f: {  	_ = 	snop  }
0x90: {  	s2 =	sld [smem:$0x3FD0];
	(tm) =	ssettm $0x1  }
0x91: {  	s18 =	sld [smem:$0x3FFB];
	_ =	sdelay $0x3  }
0x92: {  	_ =	strace s18  }
0x93: {  	s3 =	sld [smem:$0x3FFC];
	_ =	sdelay $0x3  }
0x94: {  	_ =	strace s3  }
0x95: {  	s3 =	sld [smem:$0x3FFD];
	_ =	sdelay $0x3  }
0x96: {  	_ =	strace s3  }
0x97: {  	_ =	strace $0x8FFFFFFF  }
0x98: {  	s19 =	sld [smem:$0x3FDB];
	_ =	sdelay $0x1  }
0x99: {  	s4 =	simm.s32 $_scs_section_size  }
0x9a: {  	s5 =	simm.s32 $_size__tile_overlayer_lowered;
	s6 =	simm.s32 $_tile_overlayer_lowered  }
0x9b: {  	s22 =	simm.s32 $0x1BFF;
	s21 =	sshll.u32 s6, $0x1;
	s3 =	sadd.s32 s4, s19  }
0x9c: {  	s7 =	simm.s32 $0x0;
	s20 =	sshll.u32 s5, $0x1;
	s5 =	sadd.s32 s21, s3  }
0x9d: {  	[timem:s7], [sflag:s22] =	dma.local [hbm:s5], s20  }
0x9e: {  	_ =	swait.ge [sflag:s22], s20  }
0x9f: {  	s4 =	ssub.s32 $0x0, s20;
	[sflag:s22] =	ssyncset.done $0x0  }
0xa0: {  	[sflag:s22] =	ssyncadd.s32 s4;
	_ =	sdelay $0x1  }
0xa1: {  	s23 =	simm.s32 $0x1B8B  }
0xa2: {  	_ =	swait.ge [sflag:s23], $0x1  }
0xa3: {  	[sflag:s23] =	ssyncset.done $0x0  }
0xa4: {  	s25 =	simm.s32 $0x1B8E;
	s24 =	sld [smem:$0x3FFE];
	[sflag:s23] =	ssyncadd.s32 $0xFFFFFFFF  }
0xa5: {  	s26 =	simm.s32 $execute0_lowered;
	[smem:$0x3FD2] =	sst s25  }
0xa6: {  	s5 =	sshll.u32 s26, $0x1;
	_ =	strace $0x80000046;
	[dreg:$0x1] =	wrdreg $0xFFFFFFFF  }
0xa7: {  	s28 =	simm.s32 $_size_execute0_lowered;
	s3 =	sadd.s32 s3, s5;
	[dreg:$0x0] =	wrdreg $0x0  }
0xa8: {  	s5 =	sshll.u32 s28, $0x1;
	[dreg:$0x2] =	wrdreg s3  }
0xa9: {  	[dreg:$0x3] =	wrdreg s5  }
0xaa: {  	[dreg:$0x4] =	wrdreg $0xC0  }
0xab: {  	_ =	task [dreg:s7], $0x5FFFF  }
0xac: {  	[dreg:$0x1] =	wrdreg $0xFFFFFFFF  }
0xad: {  	[dreg:$0x0] =	wrdreg $0x60  }
0xae: {  	[dreg:$0x2] =	wrdreg s24  }
0xaf: {  	[dreg:$0x3] =	wrdreg s2  }
0xb0: {  	[dreg:$0x4] =	wrdreg $0x9  }
0xb1: {  	_ =	task.clear_ibuf [dreg:s7], $0x5FFFF;
	_ =	strace $0x90000046  }
0xb2: {  	s29 =	simm.s32 $0x9;
	_ =	strace $0x80000048  }
0xb3: {  	_ =	swait.ge [sflag:s29], $0x1  }
0xb4: {  	[sflag:s29] =	ssyncadd.s32 $0xFFFFFFFF  }
0xb5: {  	_ =	strace $0x90000048  }
0xb6: {  	_ =	sfence  }
0xb7: {  	s30 =	sld [smem:$0x0];
	_ =	sdelay $0x2  }
0xb8: {  	s31 =	sshll.u32 s1, $0xD;
	s1 =	sshrl.u32 s1, $0x2  }
0xb9: {  	s3 =	sand.u32 $0x4000, s31;
	s1 =	sadd.s32 s1, s30  }
0xba: {  	s0 =	sor.u32 s3, s0;
	s1 =	sshll.u32 s1, $0x11  }
0xbb: {  	s0 =	sor.u32 s1, s0  }
0xbc: {  	s0 =	sadd.s32 $0x8F2B, s0  }
0xbd: {  	[sflag:s0] =	ssyncadd.remote.s32 $0x1  }
0xbe: {  	_ =	sfence.sel $0xFFFF  }
0xbf: {  	[dreg:$0x0] =	wrdreg $0xFFFFFFFF;
	(pc) =	sbr.abs _section_cstart, $3  }
0xc0: {  	[dreg:$0x1] =	wrdreg $0xFFFFFFFF  }
0xc1: {  	_ =	task.clear_ibuf [dreg:s7], $0x2FFFF;
	_ =	strace $0x9FFFFFFF  }
0xc2: {  	(tm) =	ssettm $0x7FFFFFFF  }
0xc3: {  	_ =	shalt  }
tec
execute0_lowered:
.L_overlay_start_1:
0x0: {  	(tag) =	ssettag $0x1  }
0x1: {  	s0 =	rddreg [dreg:$0x0];
	s1 =	srdreg.scid  }
0x2: {  	s3 =	stileid.u32;
	s2 =	rddreg [dreg:$0x1];
	s5 =	simm.s32 $0x0  }
0x3: {  	s10 =	simm.s32 $0x5;
	s11 =	simm.s32 $0x80;
	s12 =	simm.s32 $0x6400  }
0x4: {  	s13 =	simm.s32 $0x8400;
	s15 =	simm.s32 $0xA400;
	s17 =	simm.s32 $0xC400  }
0x5: {  	s19 =	simm.s32 $0xE400;
	s20 =	simm.s32 $0x1;
	s21 =	simm.s32 $0x40  }
0x6: {  	s23 =	simm.s32 $0x10400;
	s28 =	simm.s32 $0x14400;
	s30 =	simm.s32 $0x16400  }
0x7: {  	s14 =	simm.s32 $0x3;
	s16 =	simm.s32 $0x4;
	s7 =	smul.u32 $0x190, s3  }
0x8: {  	s18 =	simm.s32 $0x0;
	s1 =	sand.u32 $0x1, s1;
	s26 =	smul.u32 $0xC8000, s3  }
0x9: {  	s4 =	sshll.u32 s3, $0x1;
	[smem:$0x7FF] =	sst s5;
	s9 =	smul.u32 $0xC8, s1  }
0xa: {  	s4 =	sor.u32 s1, s4;
	s6 =	ssub.s32 $0x2, s1;
	s1 =	smul.u32 $0x64000, s1  }
0xb: {  	_ =	strace $0x80000047;
	s24 =	smul.u32 $0xC80, s4;
	s8 =	sshrl.u32 s6, $0x1  }
0xc: {  	s25 =	smul.u32 $0x64000, s4;
	s6 =	ssub.s32 s6, s8;
	s7 =	sadd.s32 s9, s7  }
0xd: {  	s5 =	sadd.s32 s24, s0;
	s0 =	sadd.s32 $0x1A200, s0;
	s7 =	sshll.u32 s7, $0xB  }
0xe: {  	s4 =	sadd.s32 $0x1200, s5;
	s5 =	smax.u32 s6, $0x1;
	s6 =	sadd.s32 s0, s25  }
0xf: {  	s31 =	sadd.s32 s0, s7;
	s0 =	sadd.s32 s26, s0;
	s25 =	simm.s32 $0x12400  }
0x10: {  	s7 =	sadd.s32 $0x2800, s6;
	s29 =	sadd.s32 $0x7800, s31;
	s0 =	sadd.s32 s1, s0  }
0x11: {  	s1 =	simm.s32 $0x18400;
	s9 =	sadd.s32 $0x5000, s0;
	s0 =	simm.s32 $0x2  }
.LBB2_1:
0x12: {  	s3 =	simm.s32 $0x0  }
0x13: {  	[tilespmem:s3], [sflag:$0x5] =	stream.linear.gather [hbm4b:s4+s3], $0x6400, $0x38;
	[tilespmem:$0x1A400] =	vst v63  }
0x14: {  	_ =	swait.ge [sflag:s10], $0x6400  }
0x15: {  	[sflag:s10] =	ssyncset.done $0x0  }
0x16: {  	[sflag:s10] =	ssyncadd.s32 $0xFFFF9C00  }
0x17: {  	[tilespmem:s12], [sflag:$0x1] =	stream.indirect.gather [hbm4b:s2+s11], $0x40, s3, s11, $0xb8;
	[tilespmem:$0x1A400] =	vst v63  }
0x18: {  	_ = 	snop  }
0x19: {  	[tilespmem:s13], [sflag:$0x1] =	stream.indirect.gather [hbm4b:s2+s11], $0x40, s11, s11, $0xb8;
	[tilespmem:$0x1A400] =	vst v63  }
0x1a: {  	s26 =	simm.s32 $0x100  }
0x1b: {  	[tilespmem:s15], [sflag:$0x1] =	stream.indirect.gather [hbm4b:s2+s11], $0x40, s26, s11, $0xb8;
	[tilespmem:$0x1A400] =	vst v63  }
0x1c: {  	s31 =	simm.s32 $0x180  }
0x1d: {  	[tilespmem:s17], [sflag:$0x1] =	stream.indirect.gather [hbm4b:s2+s11], $0x40, s31, s11, $0xb8;
	[tilespmem:$0x1A400] =	vst v63  }
0x1e: {  	s8 =	simm.s32 $0x200  }
0x1f: {  	[tilespmem:s19], [sflag:$0x1] =	stream.indirect.gather [hbm4b:s2+s11], $0x40, s8, s11, $0xb8;
	[tilespmem:$0x1A400] =	vst v63  }
0x20: {  	_ =	swait.ge [sflag:s20], $0x2000  }
0x21: {  	[sflag:s20] =	ssyncset.done $0x0  }
0x22: {  	[sflag:s20] =	ssyncadd.s32 $0xFFFFE000  }
0x23: {  	_ =	swait.ge [sflag:s20], $0x2000  }
0x24: {  	[sflag:s20] =	ssyncset.done $0x0  }
0x25: {  	[sflag:s20] =	ssyncadd.s32 $0xFFFFE000  }
0x26: {  	_ =	swait.ge [sflag:s20], $0x2000  }
0x27: {  	[sflag:s20] =	ssyncset.done $0x0  }
0x28: {  	[sflag:s20] =	ssyncadd.s32 $0xFFFFE000  }
0x29: {  	_ =	swait.ge [sflag:s20], $0x2000  }
0x2a: {  	[sflag:s20] =	ssyncset.done $0x0  }
0x2b: {  	[sflag:s20] =	ssyncadd.s32 $0xFFFFE000  }
0x2c: {  	_ =	swait.ge [sflag:s20], $0x2000  }
0x2d: {  	[sflag:s20] =	ssyncset.done $0x0  }
0x2e: {  	[sflag:s20] =	ssyncadd.s32 $0xFFFFE000  }
0x2f: {  	[hbm4b:s6+s21] =	stream.strided.scatter [tilespmem:s12], [sflag:$0x3], $0xA000, s11, s21, $0x38;
	[tilespmem:$0x1A400] =	vst v63  }
0x30: {  	s22 =	simm.s32 $0x280  }
0x31: {  	[tilespmem:s23], [sflag:$0x2] =	stream.indirect.gather [hbm4b:s2+s11], $0x40, s22, s11, $0xb8;
	[tilespmem:$0x1A400] =	vst v63  }
0x32: {  	s24 =	simm.s32 $0x300  }
0x33: {  	[tilespmem:s25], [sflag:$0x2] =	stream.indirect.gather [hbm4b:s2+s11], $0x40, s24, s11, $0xb8;
	[tilespmem:$0x1A400] =	vst v63  }
0x34: {  	s26 =	simm.s32 $0x380  }
0x35: {  	[tilespmem:s28], [sflag:$0x2] =	stream.indirect.gather [hbm4b:s2+s11], $0x40, s26, s11, $0xb8;
	[tilespmem:$0x1A400] =	vst v63  }
0x36: {  	s31 =	simm.s32 $0x400  }
0x37: {  	[tilespmem:s30], [sflag:$0x2] =	stream.indirect.gather [hbm4b:s2+s11], $0x40, s31, s11, $0xb8;
	[tilespmem:$0x1A400] =	vst v63  }
0x38: {  	s8 =	simm.s32 $0x480  }
0x39: {  	[tilespmem:s1], [sflag:$0x2] =	stream.indirect.gather [hbm4b:s2+s11], $0x40, s8, s11, $0xb8;
	[tilespmem:$0x1A400] =	vst v63  }
0x3a: {  	_ =	swait.ge [sflag:s0], $0x2000  }
0x3b: {  	[sflag:s0] =	ssyncset.done $0x0  }
0x3c: {  	[sflag:s0] =	ssyncadd.s32 $0xFFFFE000  }
0x3d: {  	_ =	swait.ge [sflag:s0], $0x2000  }
0x3e: {  	[sflag:s0] =	ssyncset.done $0x0  }
0x3f: {  	[sflag:s0] =	ssyncadd.s32 $0xFFFFE000  }
0x40: {  	_ =	swait.ge [sflag:s0], $0x2000  }
0x41: {  	[sflag:s0] =	ssyncset.done $0x0  }
0x42: {  	[sflag:s0] =	ssyncadd.s32 $0xFFFFE000  }
0x43: {  	_ =	swait.ge [sflag:s0], $0x2000  }
0x44: {  	[sflag:s0] =	ssyncset.done $0x0  }
0x45: {  	[sflag:s0] =	ssyncadd.s32 $0xFFFFE000  }
0x46: {  	_ =	swait.ge [sflag:s0], $0x2000  }
0x47: {  	[sflag:s0] =	ssyncset.done $0x0  }
0x48: {  	[sflag:s0] =	ssyncadd.s32 $0xFFFFE000  }
0x49: {  	[hbm4b:s7+s21] =	stream.strided.scatter [tilespmem:s23], [sflag:$0x4], $0xA000, s11, s21, $0x38;
	[tilespmem:$0x1A400] =	vst v63  }
0x4a: {  	_ =	swait.ge [sflag:s14], $0xA000  }
0x4b: {  	[sflag:s14] =	ssyncset.done $0x0  }
0x4c: {  	s8 =	simm.s32 $0x500;
	[sflag:s14] =	ssyncadd.s32 $0xFFFF6000  }
0x4d: {  	[tilespmem:s12], [sflag:$0x1] =	stream.indirect.gather [hbm4b:s2+s11], $0x40, s8, s11, $0xb8;
	[tilespmem:$0x1A400] =	vst v63  }
0x4e: {  	s22 =	simm.s32 $0x580  }
0x4f: {  	[tilespmem:s13], [sflag:$0x1] =	stream.indirect.gather [hbm4b:s2+s11], $0x40, s22, s11, $0xb8;
	[tilespmem:$0x1A400] =	vst v63  }
0x50: {  	s24 =	simm.s32 $0x600  }
0x51: {  	[tilespmem:s15], [sflag:$0x1] =	stream.indirect.gather [hbm4b:s2+s11], $0x40, s24, s11, $0xb8;
	[tilespmem:$0x1A400] =	vst v63  }
0x52: {  	s26 =	simm.s32 $0x680  }
0x53: {  	[tilespmem:s17], [sflag:$0x1] =	stream.indirect.gather [hbm4b:s2+s11], $0x40, s26, s11, $0xb8;
	[tilespmem:$0x1A400] =	vst v63  }
0x54: {  	s31 =	simm.s32 $0x700  }
0x55: {  	[tilespmem:s19], [sflag:$0x1] =	stream.indirect.gather [hbm4b:s2+s11], $0x40, s31, s11, $0xb8;
	[tilespmem:$0x1A400] =	vst v63  }
0x56: {  	_ =	swait.ge [sflag:s20], $0x2000  }
0x57: {  	[sflag:s20] =	ssyncset.done $0x0  }
0x58: {  	[sflag:s20] =	ssyncadd.s32 $0xFFFFE000  }
0x59: {  	_ =	swait.ge [sflag:s20], $0x2000  }
0x5a: {  	[sflag:s20] =	ssyncset.done $0x0  }
0x5b: {  	[sflag:s20] =	ssyncadd.s32 $0xFFFFE000  }
0x5c: {  	_ =	swait.ge [sflag:s20], $0x2000  }
0x5d: {  	[sflag:s20] =	ssyncset.done $0x0  }
0x5e: {  	[sflag:s20] =	ssyncadd.s32 $0xFFFFE000  }
0x5f: {  	_ =	swait.ge [sflag:s20], $0x2000  }
0x60: {  	[sflag:s20] =	ssyncset.done $0x0  }
0x61: {  	[sflag:s20] =	ssyncadd.s32 $0xFFFFE000  }
0x62: {  	_ =	swait.ge [sflag:s20], $0x2000  }
0x63: {  	[sflag:s20] =	ssyncset.done $0x0  }
0x64: {  	[sflag:s20] =	ssyncadd.s32 $0xFFFFE000  }
0x65: {  	[hbm4b:s9+s21] =	stream.strided.scatter [tilespmem:s12], [sflag:$0x3], $0xA000, s11, s21, $0x38;
	[tilespmem:$0x1A400] =	vst v63  }
0x66: {  	_ =	swait.ge [sflag:s16], $0xA000  }
0x67: {  	[sflag:s16] =	ssyncset.done $0x0  }
0x68: {  	s3 =	simm.s32 $0x780;
	[sflag:s16] =	ssyncadd.s32 $0xFFFF6000  }
0x69: {  	[tilespmem:s23], [sflag:$0x2] =	stream.indirect.gather [hbm4b:s2+s11], $0x40, s3, s11, $0xb8;
	[tilespmem:$0x1A400] =	vst v63  }
0x6a: {  	s22 =	simm.s32 $0x800  }
0x6b: {  	[tilespmem:s25], [sflag:$0x2] =	stream.indirect.gather [hbm4b:s2+s11], $0x40, s22, s11, $0xb8;
	[tilespmem:$0x1A400] =	vst v63  }
0x6c: {  	s24 =	simm.s32 $0x880  }
0x6d: {  	[tilespmem:s28], [sflag:$0x2] =	stream.indirect.gather [hbm4b:s2+s11], $0x40, s24, s11, $0xb8;
	[tilespmem:$0x1A400] =	vst v63  }
0x6e: {  	s26 =	simm.s32 $0x900  }
0x6f: {  	[tilespmem:s30], [sflag:$0x2] =	stream.indirect.gather [hbm4b:s2+s11], $0x40, s26, s11, $0xb8;
	[tilespmem:$0x1A400] =	vst v63  }
0x70: {  	s31 =	simm.s32 $0x980  }
0x71: {  	[tilespmem:s1], [sflag:$0x2] =	stream.indirect.gather [hbm4b:s2+s11], $0x40, s31, s11, $0xb8;
	[tilespmem:$0x1A400] =	vst v63  }
0x72: {  	_ =	swait.ge [sflag:s0], $0x2000  }
0x73: {  	[sflag:s0] =	ssyncset.done $0x0  }
0x74: {  	[sflag:s0] =	ssyncadd.s32 $0xFFFFE000  }
0x75: {  	_ =	swait.ge [sflag:s0], $0x2000  }
0x76: {  	[sflag:s0] =	ssyncset.done $0x0  }
0x77: {  	[sflag:s0] =	ssyncadd.s32 $0xFFFFE000  }
0x78: {  	_ =	swait.ge [sflag:s0], $0x2000  }
0x79: {  	[sflag:s0] =	ssyncset.done $0x0  }
0x7a: {  	[sflag:s0] =	ssyncadd.s32 $0xFFFFE000  }
0x7b: {  	_ =	swait.ge [sflag:s0], $0x2000  }
0x7c: {  	[sflag:s0] =	ssyncset.done $0x0  }
0x7d: {  	[sflag:s0] =	ssyncadd.s32 $0xFFFFE000  }
0x7e: {  	_ =	swait.ge [sflag:s0], $0x2000  }
0x7f: {  	s8 =	smov.u32 s29;
	s22 =	simm.s32 $0x1400;
	[sflag:s0] =	ssyncset.done $0x0  }
0x80: {  	s24 =	sadd.s32 $0x5000, s29;
	s26 =	sadd.s32 $0x5000, s9;
	[sflag:s0] =	ssyncadd.s32 $0xFFFFE000  }
.LBB2_2:
0x81: {  	[hbm4b:s8+s21] =	stream.strided.scatter [tilespmem:s23], [sflag:$0x4], $0xA000, s11, s21, $0x38;
	[tilespmem:$0x1A400] =	vst v63  }
0x82: {  	s31 =	smov.u32 s22;
	s8 =	smov.u32 s24  }
0x83: {  	p0 =	sne.s32 s22, $0x16800;
	s22 =	sadd.s32 $0x1400, s22;
	_ =	swait.ge [sflag:s14], $0xA000  }
0x84: {  	s31 =	sshra.s32 s31, $0x2;
	[sflag:s14] =	ssyncset.done $0x0  }
0x85: {  	s3 =	sadd.s32 $0x500, s31;
	[sflag:s14] =	ssyncadd.s32 $0xFFFF6000  }
0x86: {  	[tilespmem:s12], [sflag:$0x1] =	stream.indirect.gather [hbm4b:s2+s11], $0x40, s3, s11, $0xb8;
	[tilespmem:$0x1A400] =	vst v63  }
0x87: {  	s3 =	sadd.s32 $0x580, s31  }
0x88: {  	[tilespmem:s13], [sflag:$0x1] =	stream.indirect.gather [hbm4b:s2+s11], $0x40, s3, s11, $0xb8;
	[tilespmem:$0x1A400] =	vst v63  }
0x89: {  	s3 =	sadd.s32 $0x600, s31  }
0x8a: {  	[tilespmem:s15], [sflag:$0x1] =	stream.indirect.gather [hbm4b:s2+s11], $0x40, s3, s11, $0xb8;
	[tilespmem:$0x1A400] =	vst v63  }
0x8b: {  	s3 =	sadd.s32 $0x680, s31  }
0x8c: {  	[tilespmem:s17], [sflag:$0x1] =	stream.indirect.gather [hbm4b:s2+s11], $0x40, s3, s11, $0xb8;
	[tilespmem:$0x1A400] =	vst v63  }
0x8d: {  	s3 =	sadd.s32 $0x700, s31  }
0x8e: {  	[tilespmem:s19], [sflag:$0x1] =	stream.indirect.gather [hbm4b:s2+s11], $0x40, s3, s11, $0xb8;
	[tilespmem:$0x1A400] =	vst v63  }
0x8f: {  	_ =	swait.ge [sflag:s20], $0x2000  }
0x90: {  	[sflag:s20] =	ssyncset.done $0x0  }
0x91: {  	[sflag:s20] =	ssyncadd.s32 $0xFFFFE000  }
0x92: {  	_ =	swait.ge [sflag:s20], $0x2000  }
0x93: {  	[sflag:s20] =	ssyncset.done $0x0  }
0x94: {  	[sflag:s20] =	ssyncadd.s32 $0xFFFFE000  }
0x95: {  	_ =	swait.ge [sflag:s20], $0x2000  }
0x96: {  	[sflag:s20] =	ssyncset.done $0x0  }
0x97: {  	[sflag:s20] =	ssyncadd.s32 $0xFFFFE000  }
0x98: {  	_ =	swait.ge [sflag:s20], $0x2000  }
0x99: {  	[sflag:s20] =	ssyncset.done $0x0  }
0x9a: {  	[sflag:s20] =	ssyncadd.s32 $0xFFFFE000  }
0x9b: {  	_ =	swait.ge [sflag:s20], $0x2000  }
0x9c: {  	[sflag:s20] =	ssyncset.done $0x0  }
0x9d: {  	[sflag:s20] =	ssyncadd.s32 $0xFFFFE000  }
0x9e: {  	[hbm4b:s26+s21] =	stream.strided.scatter [tilespmem:s12], [sflag:$0x3], $0xA000, s11, s21, $0x38;
	[tilespmem:$0x1A400] =	vst v63  }
0x9f: {  	_ =	swait.ge [sflag:s16], $0xA000  }
0xa0: {  	[sflag:s16] =	ssyncset.done $0x0  }
0xa1: {  	s3 =	sadd.s32 $0x780, s31;
	[sflag:s16] =	ssyncadd.s32 $0xFFFF6000  }
0xa2: {  	[tilespmem:s23], [sflag:$0x2] =	stream.indirect.gather [hbm4b:s2+s11], $0x40, s3, s11, $0xb8;
	[tilespmem:$0x1A400] =	vst v63  }
0xa3: {  	s3 =	sadd.s32 $0x800, s31  }
0xa4: {  	[tilespmem:s25], [sflag:$0x2] =	stream.indirect.gather [hbm4b:s2+s11], $0x40, s3, s11, $0xb8;
	[tilespmem:$0x1A400] =	vst v63  }
0xa5: {  	s3 =	sadd.s32 $0x880, s31  }
0xa6: {  	[tilespmem:s28], [sflag:$0x2] =	stream.indirect.gather [hbm4b:s2+s11], $0x40, s3, s11, $0xb8;
	[tilespmem:$0x1A400] =	vst v63  }
0xa7: {  	s3 =	sadd.s32 $0x900, s31  }
0xa8: {  	[tilespmem:s30], [sflag:$0x2] =	stream.indirect.gather [hbm4b:s2+s11], $0x40, s3, s11, $0xb8;
	[tilespmem:$0x1A400] =	vst v63  }
0xa9: {  	s3 =	sadd.s32 $0x980, s31  }
0xaa: {  	[tilespmem:s1], [sflag:$0x2] =	stream.indirect.gather [hbm4b:s2+s11], $0x40, s3, s11, $0xb8;
	[tilespmem:$0x1A400] =	vst v63  }
0xab: {  	_ =	swait.ge [sflag:s0], $0x2000  }
0xac: {  	[sflag:s0] =	ssyncset.done $0x0  }
0xad: {  	[sflag:s0] =	ssyncadd.s32 $0xFFFFE000  }
0xae: {  	_ =	swait.ge [sflag:s0], $0x2000  }
0xaf: {  	[sflag:s0] =	ssyncset.done $0x0  }
0xb0: {  	[sflag:s0] =	ssyncadd.s32 $0xFFFFE000  }
0xb1: {  	_ =	swait.ge [sflag:s0], $0x2000  }
0xb2: {  	[sflag:s0] =	ssyncset.done $0x0  }
0xb3: {  	[sflag:s0] =	ssyncadd.s32 $0xFFFFE000  }
0xb4: {  	_ =	swait.ge [sflag:s0], $0x2000  }
.Ltmp0:
0xb5: {  	[sflag:s0] =	ssyncset.done $0x0;
	(pc) =	sbr.rel @p0 .LBB2_2-.Ltmp0, $4  }
0xb6: {  	[sflag:s0] =	ssyncadd.s32 $0xFFFFE000  }
0xb7: {  	_ =	swait.ge [sflag:s0], $0x2000  }
0xb8: {  	[sflag:s0] =	ssyncset.done $0x0  }
0xb9: {  	s24 =	sadd.s32 $0x5000, s24;
	s26 =	sadd.s32 $0x5000, s26;
	[sflag:s0] =	ssyncadd.s32 $0xFFFFE000  }
0xba: {  	[hbm4b:s8+s21] =	stream.strided.scatter [tilespmem:s23], [sflag:$0x4], $0xA000, s11, s21, $0x38;
	[tilespmem:$0x1A400] =	vst v63  }
0xbb: {  	s18 =	sadd.s32 $0x1, s18  }
0xbc: {  	_ =	swait.ge [sflag:s14], $0xA000;
	p0 =	sne.s32 s18, s5  }
.Ltmp1:
0xbd: {  	[sflag:s14] =	ssyncset.done $0x0;
	(pc) =	sbr.rel @p0 .LBB2_1-.Ltmp1, $4  }
0xbe: {  	[sflag:s14] =	ssyncadd.s32 $0xFFFF6000  }
0xbf: {  	_ =	swait.ge [sflag:s16], $0xA000  }
0xc0: {  	[sflag:s16] =	ssyncset.done $0x0  }
0xc1: {  	[sflag:s16] =	ssyncadd.s32 $0xFFFF6000  }
0xc2: {  	_ =	sfence.sel $0x180000  }
0xc3: {  	[bflag:$0x0] =	sbarrier.arrive $0xFFFF  }
0xc4: {  	_ =	strace $0x90000047  }
0xc5: {  	s0 =	stileid.u32;
	[bflag:$0x2] =	sbarrier.arrive $0xFFFF  }
0xc6: {  	p0 =	sne.s32 s0, $0x0;
	s0 =	rddreg [dreg:$0x2]  }
0xc7: {  	s0 =	sadd.s32 @!p0 $0x100000, s0  }
0xc8: {  	[sflag:s0] =	ssyncadd.tile.s32 @!p0 $0x1;
	_ =	shalt  }
.Lfunc_end2:
_tile_overlayer_lowered:
.L_overlay_start_2:
0xc9: {  	(tag) =	ssettag $0x2  }
0xca: {  	s0 =	rddreg [dreg:$0x0];
	s2 =	stileid.u32  }
0xcb: {  	s1 =	rddreg [dreg:$0x1];
	p0 =	sne.s32 s2, $0x0  }
0xcc: {  	s3 =	rddreg [dreg:$0x2];
	[bflag:$0x3] =	sbarrier.arrive $0xFFFF;
	s2 =	simm.s32 @!p0 $0x1C05  }
0xcd: {  	[timem:s3], [sflag:s2] =	dma.local @!p0 [hbm:s0], s1  }
0xce: {  	s0 =	simm.s32 @!p0 $0x5  }
0xcf: {  	_ =	swait.ge @!p0 [sflag:s0], s1  }
0xd0: {  	s1 =	ssub.s32 @!p0 $0x0, s1;
	[sflag:s0] =	ssyncset.done @!p0 $0x0  }
0xd1: {  	[sflag:s0] =	ssyncadd.s32 @!p0 s1  }
0xd2: {  	[bflag:$0x3] =	sbarrier.arrive $0xFFFF  }
0xd3: {  	_ =	shalt  }

</sc_bundles>
